<compile_context>
chip_gen: v7x
topology: tpu7x:2x2x1
jax: 0.10.2.dev20260603
libtpu: 0.0.44.dev20260713+nightly
codegen_flags: <defaults>
</compile_context>

<pallas_src>
import functools

import jax
import jax.numpy as jnp
from jax import lax
from jax.experimental import pallas as pl
from jax.experimental.pallas import tpu as pltpu
from jax.experimental.pallas import tpu_sc as plsc

_BATCH = 16384
_ROWS = 1000001
_MF = 16
_MLP = 32
_NC = 2
_NS = 16
_NW = _NC * _NS
_BPW = _BATCH // _NW
_CH = 128
_NCH = _BPW // _CH
_L = 16
_MVW = 16384
_NP = 62501
_MVOUT = _NP * _L


def _mv_body(t_ref, w_ref, out_ref):
    t = t_ref[...]
    w = w_ref[...]
    out_ref[...] = jnp.sum(t * w[:, None], axis=0)


def _matvec(table_t, w):
    flat = pl.pallas_call(
        _mv_body,
        grid=(pl.cdiv(_MVOUT, _MVW),),
        in_specs=[pl.BlockSpec((_MLP, _MVW), lambda j: (0, j)),
                  pl.BlockSpec((_MLP,), lambda j: (0,))],
        out_specs=pl.BlockSpec((_MVW,), lambda j: (j,)),
        out_shape=jax.ShapeDtypeStruct((_MVOUT,), jnp.float32),
    )(table_t, w)
    return flat.reshape(_NP, _L)


def _sc_body(uix_hbm, mix_hbm, umf_hbm, mmf_hbm, pu_hbm, pm_hbm, w_hbm,
             out_hbm,
             idxu_v, idxm_v, gpu_v, gpm_v, umf_v, mmf_v, pu_v, pm_v, w_v,
             out_v, sem):
    wid = lax.axis_index("s") * _NC + lax.axis_index("c")
    base = wid * _BPW

    pltpu.sync_copy(w_hbm, w_v)
    pltpu.sync_copy(uix_hbm.at[pl.ds(base, _BPW)], idxu_v)
    pltpu.sync_copy(mix_hbm.at[pl.ds(base, _BPW)], idxm_v)

    for g in range(_BPW // _L):
        sl = pl.ds(g * _L, _L)
        gpu_v[sl] = lax.shift_right_logical(idxu_v[sl], 4)
        gpm_v[sl] = lax.shift_right_logical(idxm_v[sl], 4)

    copies = []
    for c in range(_NCH):
        sl = pl.ds(c * _CH, _CH)
        copies.append(pltpu.async_copy(
            umf_hbm.at[idxu_v.at[sl]], umf_v.at[sl], sem))
        copies.append(pltpu.async_copy(
            mmf_hbm.at[idxm_v.at[sl]], mmf_v.at[sl], sem))
        copies.append(pltpu.async_copy(
            pu_hbm.at[gpu_v.at[sl]], pu_v.at[sl], sem))
        copies.append(pltpu.async_copy(
            pm_hbm.at[gpm_v.at[sl]], pm_v.at[sl], sem))
    for cp in copies:
        cp.wait()

    wvecs = [w_v[pl.ds(j * _L, _L)] for j in range(2)]
    wmf = [wvecs[0][k] for k in range(_L)]
    c0v = wvecs[1]
    ii = lax.iota(jnp.int32, _L)
    kvecs = [jnp.full((_L,), k, jnp.int32) for k in range(_MF)]
    m15 = jnp.full((_L,), 15, jnp.int32)

    def g_body(g, carry):
        sl = pl.ds(g * _L, _L)
        rows = g * _L + ii
        acc = c0v
        acc = acc + plsc.load_gather(
            pu_v, [rows, jnp.bitwise_and(idxu_v[sl], m15)])
        acc = acc + plsc.load_gather(
            pm_v, [rows, jnp.bitwise_and(idxm_v[sl], m15)])
        for k in range(_MF):
            u = plsc.load_gather(umf_v, [rows, kvecs[k]])
            m = plsc.load_gather(mmf_v, [rows, kvecs[k]])
            acc = acc + u * m * wmf[k]
        out_v[sl] = 1.0 / (1.0 + jnp.exp(-acc))
        return carry

    lax.fori_loop(0, _BPW // _L, g_body, 0)
    pltpu.sync_copy(out_v, out_hbm.at[pl.ds(base, _BPW)])


_sc_call = functools.partial(
    pl.kernel,
    out_type=jax.ShapeDtypeStruct((_BATCH,), jnp.float32),
    mesh=plsc.VectorSubcoreMesh(core_axis_name="c", subcore_axis_name="s"),
    compiler_params=pltpu.CompilerParams(
        needs_layout_passes=False, use_tc_tiling_on_sc=False),
    scratch_types=[
        pltpu.VMEM((_BPW,), jnp.int32),
        pltpu.VMEM((_BPW,), jnp.int32),
        pltpu.VMEM((_BPW,), jnp.int32),
        pltpu.VMEM((_BPW,), jnp.int32),
        pltpu.VMEM((_BPW, _MF), jnp.float32),
        pltpu.VMEM((_BPW, _MF), jnp.float32),
        pltpu.VMEM((_BPW, _L), jnp.float32),
        pltpu.VMEM((_BPW, _L), jnp.float32),
        pltpu.VMEM((2 * _L,), jnp.float32),
        pltpu.VMEM((_BPW,), jnp.float32),
        pltpu.SemaphoreType.DMA,
    ],
)(_sc_body)


def kernel(X, user_mf, movie_mf, user_mlp, movie_mlp, W1, b1, W2, b2, Wf, bf):
    Xi = X.astype(jnp.int32)
    uix = Xi[:, 0]
    mix = Xi[:, 1]
    wf = Wf[0]
    wf_out = wf[_MF:]
    t = wf_out @ W2
    v = t @ W1
    c0 = jnp.dot(t, b1) + jnp.dot(wf_out, b2) + bf[0]
    wpack = jnp.concatenate([wf[:_MF], jnp.full((_L,), c0, jnp.float32)])
    pu = _matvec(user_mlp.T, v[:_MLP])
    pm = _matvec(movie_mlp.T, v[_MLP:])
    out = _sc_call(uix, mix, user_mf, movie_mf, pu, pm, wpack)
    return out.reshape(_BATCH, 1)

# --- scband reference (transcript-rebuilt; emitter-appended) ---
"""Pipeline reference for scband-ncf-45887430591243 (READ-ONLY COPY).

The authoritative reference and input builder live on the scoring server;
editing this copy changes nothing except your own understanding.
"""

import jax, jax.numpy as jnp
import numpy as np

NUM_USERS = 1000000
NUM_MOVIES = 1000000
MF_DIM = 16
MLP_DIM = 32
BATCH = 16384


def setup_inputs(seed: int = 0) -> dict:
    key = jax.random.key(seed)
    ks = jax.random.split(key, 12)
    X = jax.random.randint(ks[0], (BATCH, 2), 0, NUM_USERS, dtype=jnp.int64) if jax.config.jax_enable_x64 else jax.random.randint(ks[0], (BATCH, 2), 0, NUM_USERS).astype(jnp.int32)
    user_mf = jax.random.normal(ks[1], (NUM_USERS + 1, MF_DIM), dtype=jnp.float32) * 0.05
    movie_mf = jax.random.normal(ks[2], (NUM_MOVIES + 1, MF_DIM), dtype=jnp.float32) * 0.05
    user_mlp = jax.random.normal(ks[3], (NUM_USERS + 1, MLP_DIM), dtype=jnp.float32) * 0.05
    movie_mlp = jax.random.normal(ks[4], (NUM_MOVIES + 1, MLP_DIM), dtype=jnp.float32) * 0.05
    W1 = jax.random.normal(ks[5], (2 * MLP_DIM, 2 * MLP_DIM), dtype=jnp.float32) * 0.05
    b1 = jnp.zeros((2 * MLP_DIM,), dtype=jnp.float32)
    W2 = jax.random.normal(ks[6], (MLP_DIM, 2 * MLP_DIM), dtype=jnp.float32) * 0.05
    b2 = jnp.zeros((MLP_DIM,), dtype=jnp.float32)
    Wf = jax.random.normal(ks[7], (1, MLP_DIM + MF_DIM), dtype=jnp.float32) * 0.05
    bf = jnp.zeros((1,), dtype=jnp.float32)
    return {"X": X, "user_mf": user_mf, "movie_mf": movie_mf, "user_mlp": user_mlp,
            "movie_mlp": movie_mlp, "W1": W1, "b1": b1, "W2": W2, "b2": b2,
            "Wf": Wf, "bf": bf}


def reference(X, user_mf, movie_mf, user_mlp, movie_mlp, W1, b1, W2, b2, Wf, bf):
    user = X[:, 0]
    movie = X[:, 1]
    umf = jnp.take(user_mf, user, axis=0)
    mmf = jnp.take(movie_mf, movie, axis=0)
    umlp = jnp.take(user_mlp, user, axis=0)
    mmlp = jnp.take(movie_mlp, movie, axis=0)
    mlp_input = jnp.concatenate((umlp, mmlp), axis=1)
    out = mlp_input @ W1.T + b1
    out = out @ W2.T + b2
    gmf = umf * mmf
    final_input = jnp.concatenate((gmf, out), axis=1)
    final_out = final_input @ Wf.T + bf
    final_out = jax.nn.sigmoid(final_out)
    return final_out

if __name__ == "__main__":
    import jax
    _d = setup_inputs()
    print(jax.jit(kernel)(*tuple(_d.values())))

</pallas_src>

<mosaic_0001>
#map = affine_map<(d0, d1) -> (0)>
#map1 = affine_map<(d0, d1) -> (0, 0)>
module attributes {stable_mosaic.version = 14 : i64} {
  func.func @_sc_body(%arg0: i32, %arg1: i32, %arg2: memref<16384xi32, #tpu.memory_space<hbm>>, %arg3: memref<16384xi32, #tpu.memory_space<hbm>>, %arg4: memref<1000001x16xf32, #tpu.memory_space<hbm>>, %arg5: memref<1000001x16xf32, #tpu.memory_space<hbm>>, %arg6: memref<62501x16xf32, #tpu.memory_space<hbm>>, %arg7: memref<62501x16xf32, #tpu.memory_space<hbm>>, %arg8: memref<32xf32, #tpu.memory_space<hbm>>, %arg9: memref<16384xf32, #tpu.memory_space<hbm>>, %arg10: memref<512xi32, #tpu.memory_space<vmem>>, %arg11: memref<512xi32, #tpu.memory_space<vmem>>, %arg12: memref<512xi32, #tpu.memory_space<vmem>>, %arg13: memref<512xi32, #tpu.memory_space<vmem>>, %arg14: memref<512x16xf32, #tpu.memory_space<vmem>>, %arg15: memref<512x16xf32, #tpu.memory_space<vmem>>, %arg16: memref<512x16xf32, #tpu.memory_space<vmem>>, %arg17: memref<512x16xf32, #tpu.memory_space<vmem>>, %arg18: memref<32xf32, #tpu.memory_space<vmem>>, %arg19: memref<512xf32, #tpu.memory_space<vmem>>, %arg20: memref<!tpu.dma_semaphore, #tpu.memory_space<semaphore_mem>>) attributes {dimension_semantics = [#tpu.dimension_semantics<core_parallel>, #tpu.dimension_semantics<subcore_parallel>], iteration_bounds = array<i64: 2, 16>, scalar_prefetch = 0 : i64, scratch_operands = 11 : i64, tpu.core_type = #tpu.core_type<sc_vector_subcore>, window_params = [{transform_indices = #map}, {transform_indices = #map}, {transform_indices = #map1}, {transform_indices = #map1}, {transform_indices = #map1}, {transform_indices = #map1}, {transform_indices = #map}, {transform_indices = #map}]} {
    %mul3A = arith.constant 2 : i32
    %mul3A_0 = arith.muli %arg1, %mul3A : i32
    %add3A = arith.addi %mul3A_0, %arg0 : i32
    %mul3A_1 = arith.constant 512 : i32
    %mul3A_2 = arith.muli %add3A, %mul3A_1 : i32
    "tpu.region"() ({
      %run_scoped3A = tpu.sem_alloc : memref<!tpu.dma_semaphore, #tpu.memory_space<semaphore_mem>>
      tpu.enqueue_dma source(%arg8 : memref<32xf32, #tpu.memory_space<hbm>>) target(%arg18 : memref<32xf32, #tpu.memory_space<vmem>>) target_semaphore(%run_scoped3A : memref<!tpu.dma_semaphore, #tpu.memory_space<semaphore_mem>>)
      tpu.wait_dma2 semaphore(%run_scoped3A : memref<!tpu.dma_semaphore, #tpu.memory_space<semaphore_mem>>) src(%arg8 : memref<32xf32, #tpu.memory_space<hbm>>) dst(%arg18 : memref<32xf32, #tpu.memory_space<vmem>>)
      tpu.yield
    }) : () -> ()
    "tpu.region"() ({
      %run_scoped3A = tpu.sem_alloc : memref<!tpu.dma_semaphore, #tpu.memory_space<semaphore_mem>>
      %dma_start3A_774 = tpu.memref_slice %arg2[%mul3A_2] : memref<16384xi32, #tpu.memory_space<hbm>> -> memref<512xi32, #tpu.memory_space<hbm>>
      %dma_start3A_775 = tpu.memref_slice %arg2[%mul3A_2] : memref<16384xi32, #tpu.memory_space<hbm>> -> memref<512xi32, #tpu.memory_space<hbm>>
      tpu.enqueue_dma source(%dma_start3A_775 : memref<512xi32, #tpu.memory_space<hbm>>) target(%arg10 : memref<512xi32, #tpu.memory_space<vmem>>) target_semaphore(%run_scoped3A : memref<!tpu.dma_semaphore, #tpu.memory_space<semaphore_mem>>)
      %dma_wait3A_776 = tpu.memref_slice %arg2[%mul3A_2] : memref<16384xi32, #tpu.memory_space<hbm>> -> memref<512xi32, #tpu.memory_space<hbm>>
      %dma_wait3A_777 = tpu.memref_slice %arg2[%mul3A_2] : memref<16384xi32, #tpu.memory_space<hbm>> -> memref<512xi32, #tpu.memory_space<hbm>>
      tpu.wait_dma2 semaphore(%run_scoped3A : memref<!tpu.dma_semaphore, #tpu.memory_space<semaphore_mem>>) src(%dma_wait3A_777 : memref<512xi32, #tpu.memory_space<hbm>>) dst(%arg10 : memref<512xi32, #tpu.memory_space<vmem>>)
      tpu.yield
    }) : () -> ()
    "tpu.region"() ({
      %run_scoped3A = tpu.sem_alloc : memref<!tpu.dma_semaphore, #tpu.memory_space<semaphore_mem>>
      %dma_start3A_774 = tpu.memref_slice %arg3[%mul3A_2] : memref<16384xi32, #tpu.memory_space<hbm>> -> memref<512xi32, #tpu.memory_space<hbm>>
      %dma_start3A_775 = tpu.memref_slice %arg3[%mul3A_2] : memref<16384xi32, #tpu.memory_space<hbm>> -> memref<512xi32, #tpu.memory_space<hbm>>
      tpu.enqueue_dma source(%dma_start3A_775 : memref<512xi32, #tpu.memory_space<hbm>>) target(%arg11 : memref<512xi32, #tpu.memory_space<vmem>>) target_semaphore(%run_scoped3A : memref<!tpu.dma_semaphore, #tpu.memory_space<semaphore_mem>>)
      %dma_wait3A_776 = tpu.memref_slice %arg3[%mul3A_2] : memref<16384xi32, #tpu.memory_space<hbm>> -> memref<512xi32, #tpu.memory_space<hbm>>
      %dma_wait3A_777 = tpu.memref_slice %arg3[%mul3A_2] : memref<16384xi32, #tpu.memory_space<hbm>> -> memref<512xi32, #tpu.memory_space<hbm>>
      tpu.wait_dma2 semaphore(%run_scoped3A : memref<!tpu.dma_semaphore, #tpu.memory_space<semaphore_mem>>) src(%dma_wait3A_777 : memref<512xi32, #tpu.memory_space<hbm>>) dst(%arg11 : memref<512xi32, #tpu.memory_space<vmem>>)
      tpu.yield
    }) : () -> ()
    %get3A = arith.constant 0 : index
    %get3A_3 = tpu.vector_load %arg10[%get3A] {strides = array<i32>} : memref<512xi32, #tpu.memory_space<vmem>>, vector<16xi32>,
    %shift_right_logical3A = arith.constant 4 : i32
    %shift_right_logical3A_4 = vector.broadcast %shift_right_logical3A : i32 to vector<16xi32>
    %shift_right_logical3A_5 = arith.shrui %get3A_3, %shift_right_logical3A_4 : vector<16xi32>
    %swap3A = arith.constant 0 : index
    %swap3A_6 = tpu.vector_load %arg12[%swap3A] {strides = array<i32>} : memref<512xi32, #tpu.memory_space<vmem>>, vector<16xi32>,
    tpu.vector_store %arg12[%swap3A], %shift_right_logical3A_5 {strides = array<i32>} : memref<512xi32, #tpu.memory_space<vmem>>, vector<16xi32>,
    %get3A_7 = arith.constant 0 : index
    %get3A_8 = tpu.vector_load %arg11[%get3A_7] {strides = array<i32>} : memref<512xi32, #tpu.memory_space<vmem>>, vector<16xi32>,
    %shift_right_logical3A_9 = arith.constant 4 : i32
    %shift_right_logical3A_10 = vector.broadcast %shift_right_logical3A_9 : i32 to vector<16xi32>
    %shift_right_logical3A_11 = arith.shrui %get3A_8, %shift_right_logical3A_10 : vector<16xi32>
    %swap3A_12 = arith.constant 0 : index
    %swap3A_13 = tpu.vector_load %arg13[%swap3A_12] {strides = array<i32>} : memref<512xi32, #tpu.memory_space<vmem>>, vector<16xi32>,
    tpu.vector_store %arg13[%swap3A_12], %shift_right_logical3A_11 {strides = array<i32>} : memref<512xi32, #tpu.memory_space<vmem>>, vector<16xi32>,
    %get3A_14 = arith.constant 16 : index
    %get3A_15 = tpu.vector_load %arg10[%get3A_14] {strides = array<i32>} : memref<512xi32, #tpu.memory_space<vmem>>, vector<16xi32>,
    %shift_right_logical3A_16 = arith.constant 4 : i32
    %shift_right_logical3A_17 = vector.broadcast %shift_right_logical3A_16 : i32 to vector<16xi32>
    %shift_right_logical3A_18 = arith.shrui %get3A_15, %shift_right_logical3A_17 : vector<16xi32>
    %swap3A_19 = arith.constant 16 : index
    %swap3A_20 = tpu.vector_load %arg12[%swap3A_19] {strides = array<i32>} : memref<512xi32, #tpu.memory_space<vmem>>, vector<16xi32>,
    tpu.vector_store %arg12[%swap3A_19], %shift_right_logical3A_18 {strides = array<i32>} : memref<512xi32, #tpu.memory_space<vmem>>, vector<16xi32>,
    %get3A_21 = arith.constant 16 : index
    %get3A_22 = tpu.vector_load %arg11[%get3A_21] {strides = array<i32>} : memref<512xi32, #tpu.memory_space<vmem>>, vector<16xi32>,
    %shift_right_logical3A_23 = arith.constant 4 : i32
    %shift_right_logical3A_24 = vector.broadcast %shift_right_logical3A_23 : i32 to vector<16xi32>
    %shift_right_logical3A_25 = arith.shrui %get3A_22, %shift_right_logical3A_24 : vector<16xi32>
    %swap3A_26 = arith.constant 16 : index
    %swap3A_27 = tpu.vector_load %arg13[%swap3A_26] {strides = array<i32>} : memref<512xi32, #tpu.memory_space<vmem>>, vector<16xi32>,
    tpu.vector_store %arg13[%swap3A_26], %shift_right_logical3A_25 {strides = array<i32>} : memref<512xi32, #tpu.memory_space<vmem>>, vector<16xi32>,
    %get3A_28 = arith.constant 32 : index
    %get3A_29 = tpu.vector_load %arg10[%get3A_28] {strides = array<i32>} : memref<512xi32, #tpu.memory_space<vmem>>, vector<16xi32>,
    %shift_right_logical3A_30 = arith.constant 4 : i32
    %shift_right_logical3A_31 = vector.broadcast %shift_right_logical3A_30 : i32 to vector<16xi32>
    %shift_right_logical3A_32 = arith.shrui %get3A_29, %shift_right_logical3A_31 : vector<16xi32>
    %swap3A_33 = arith.constant 32 : index
    %swap3A_34 = tpu.vector_load %arg12[%swap3A_33] {strides = array<i32>} : memref<512xi32, #tpu.memory_space<vmem>>, vector<16xi32>,
    tpu.vector_store %arg12[%swap3A_33], %shift_right_logical3A_32 {strides = array<i32>} : memref<512xi32, #tpu.memory_space<vmem>>, vector<16xi32>,
    %get3A_35 = arith.constant 32 : index
    %get3A_36 = tpu.vector_load %arg11[%get3A_35] {strides = array<i32>} : memref<512xi32, #tpu.memory_space<vmem>>, vector<16xi32>,
    %shift_right_logical3A_37 = arith.constant 4 : i32
    %shift_right_logical3A_38 = vector.broadcast %shift_right_logical3A_37 : i32 to vector<16xi32>
    %shift_right_logical3A_39 = arith.shrui %get3A_36, %shift_right_logical3A_38 : vector<16xi32>
    %swap3A_40 = arith.constant 32 : index
    %swap3A_41 = tpu.vector_load %arg13[%swap3A_40] {strides = array<i32>} : memref<512xi32, #tpu.memory_space<vmem>>, vector<16xi32>,
    tpu.vector_store %arg13[%swap3A_40], %shift_right_logical3A_39 {strides = array<i32>} : memref<512xi32, #tpu.memory_space<vmem>>, vector<16xi32>,
    %get3A_42 = arith.constant 48 : index
    %get3A_43 = tpu.vector_load %arg10[%get3A_42] {strides = array<i32>} : memref<512xi32, #tpu.memory_space<vmem>>, vector<16xi32>,
    %shift_right_logical3A_44 = arith.constant 4 : i32
    %shift_right_logical3A_45 = vector.broadcast %shift_right_logical3A_44 : i32 to vector<16xi32>
    %shift_right_logical3A_46 = arith.shrui %get3A_43, %shift_right_logical3A_45 : vector<16xi32>
    %swap3A_47 = arith.constant 48 : index
    %swap3A_48 = tpu.vector_load %arg12[%swap3A_47] {strides = array<i32>} : memref<512xi32, #tpu.memory_space<vmem>>, vector<16xi32>,
    tpu.vector_store %arg12[%swap3A_47], %shift_right_logical3A_46 {strides = array<i32>} : memref<512xi32, #tpu.memory_space<vmem>>, vector<16xi32>,
    %get3A_49 = arith.constant 48 : index
    %get3A_50 = tpu.vector_load %arg11[%get3A_49] {strides = array<i32>} : memref<512xi32, #tpu.memory_space<vmem>>, vector<16xi32>,
    %shift_right_logical3A_51 = arith.constant 4 : i32
    %shift_right_logical3A_52 = vector.broadcast %shift_right_logical3A_51 : i32 to vector<16xi32>
    %shift_right_logical3A_53 = arith.shrui %get3A_50, %shift_right_logical3A_52 : vector<16xi32>
    %swap3A_54 = arith.constant 48 : index
    %swap3A_55 = tpu.vector_load %arg13[%swap3A_54] {strides = array<i32>} : memref<512xi32, #tpu.memory_space<vmem>>, vector<16xi32>,
    tpu.vector_store %arg13[%swap3A_54], %shift_right_logical3A_53 {strides = array<i32>} : memref<512xi32, #tpu.memory_space<vmem>>, vector<16xi32>,
    %get3A_56 = arith.constant 64 : index
    %get3A_57 = tpu.vector_load %arg10[%get3A_56] {strides = array<i32>} : memref<512xi32, #tpu.memory_space<vmem>>, vector<16xi32>,
    %shift_right_logical3A_58 = arith.constant 4 : i32
    %shift_right_logical3A_59 = vector.broadcast %shift_right_logical3A_58 : i32 to vector<16xi32>
    %shift_right_logical3A_60 = arith.shrui %get3A_57, %shift_right_logical3A_59 : vector<16xi32>
    %swap3A_61 = arith.constant 64 : index
    %swap3A_62 = tpu.vector_load %arg12[%swap3A_61] {strides = array<i32>} : memref<512xi32, #tpu.memory_space<vmem>>, vector<16xi32>,
    tpu.vector_store %arg12[%swap3A_61], %shift_right_logical3A_60 {strides = array<i32>} : memref<512xi32, #tpu.memory_space<vmem>>, vector<16xi32>,
    %get3A_63 = arith.constant 64 : index
    %get3A_64 = tpu.vector_load %arg11[%get3A_63] {strides = array<i32>} : memref<512xi32, #tpu.memory_space<vmem>>, vector<16xi32>,
    %shift_right_logical3A_65 = arith.constant 4 : i32
    %shift_right_logical3A_66 = vector.broadcast %shift_right_logical3A_65 : i32 to vector<16xi32>
    %shift_right_logical3A_67 = arith.shrui %get3A_64, %shift_right_logical3A_66 : vector<16xi32>
    %swap3A_68 = arith.constant 64 : index
    %swap3A_69 = tpu.vector_load %arg13[%swap3A_68] {strides = array<i32>} : memref<512xi32, #tpu.memory_space<vmem>>, vector<16xi32>,
    tpu.vector_store %arg13[%swap3A_68], %shift_right_logical3A_67 {strides = array<i32>} : memref<512xi32, #tpu.memory_space<vmem>>, vector<16xi32>,
    %get3A_70 = arith.constant 80 : index
    %get3A_71 = tpu.vector_load %arg10[%get3A_70] {strides = array<i32>} : memref<512xi32, #tpu.memory_space<vmem>>, vector<16xi32>,
    %shift_right_logical3A_72 = arith.constant 4 : i32
    %shift_right_logical3A_73 = vector.broadcast %shift_right_logical3A_72 : i32 to vector<16xi32>
    %shift_right_logical3A_74 = arith.shrui %get3A_71, %shift_right_logical3A_73 : vector<16xi32>
    %swap3A_75 = arith.constant 80 : index
    %swap3A_76 = tpu.vector_load %arg12[%swap3A_75] {strides = array<i32>} : memref<512xi32, #tpu.memory_space<vmem>>, vector<16xi32>,
    tpu.vector_store %arg12[%swap3A_75], %shift_right_logical3A_74 {strides = array<i32>} : memref<512xi32, #tpu.memory_space<vmem>>, vector<16xi32>,
    %get3A_77 = arith.constant 80 : index
    %get3A_78 = tpu.vector_load %arg11[%get3A_77] {strides = array<i32>} : memref<512xi32, #tpu.memory_space<vmem>>, vector<16xi32>,
    %shift_right_logical3A_79 = arith.constant 4 : i32
    %shift_right_logical3A_80 = vector.broadcast %shift_right_logical3A_79 : i32 to vector<16xi32>
    %shift_right_logical3A_81 = arith.shrui %get3A_78, %shift_right_logical3A_80 : vector<16xi32>
    %swap3A_82 = arith.constant 80 : index
    %swap3A_83 = tpu.vector_load %arg13[%swap3A_82] {strides = array<i32>} : memref<512xi32, #tpu.memory_space<vmem>>, vector<16xi32>,
    tpu.vector_store %arg13[%swap3A_82], %shift_right_logical3A_81 {strides = array<i32>} : memref<512xi32, #tpu.memory_space<vmem>>, vector<16xi32>,
    %get3A_84 = arith.constant 96 : index
    %get3A_85 = tpu.vector_load %arg10[%get3A_84] {strides = array<i32>} : memref<512xi32, #tpu.memory_space<vmem>>, vector<16xi32>,
    %shift_right_logical3A_86 = arith.constant 4 : i32
    %shift_right_logical3A_87 = vector.broadcast %shift_right_logical3A_86 : i32 to vector<16xi32>
    %shift_right_logical3A_88 = arith.shrui %get3A_85, %shift_right_logical3A_87 : vector<16xi32>
    %swap3A_89 = arith.constant 96 : index
    %swap3A_90 = tpu.vector_load %arg12[%swap3A_89] {strides = array<i32>} : memref<512xi32, #tpu.memory_space<vmem>>, vector<16xi32>,
    tpu.vector_store %arg12[%swap3A_89], %shift_right_logical3A_88 {strides = array<i32>} : memref<512xi32, #tpu.memory_space<vmem>>, vector<16xi32>,
    %get3A_91 = arith.constant 96 : index
    %get3A_92 = tpu.vector_load %arg11[%get3A_91] {strides = array<i32>} : memref<512xi32, #tpu.memory_space<vmem>>, vector<16xi32>,
    %shift_right_logical3A_93 = arith.constant 4 : i32
    %shift_right_logical3A_94 = vector.broadcast %shift_right_logical3A_93 : i32 to vector<16xi32>
    %shift_right_logical3A_95 = arith.shrui %get3A_92, %shift_right_logical3A_94 : vector<16xi32>
    %swap3A_96 = arith.constant 96 : index
    %swap3A_97 = tpu.vector_load %arg13[%swap3A_96] {strides = array<i32>} : memref<512xi32, #tpu.memory_space<vmem>>, vector<16xi32>,
    tpu.vector_store %arg13[%swap3A_96], %shift_right_logical3A_95 {strides = array<i32>} : memref<512xi32, #tpu.memory_space<vmem>>, vector<16xi32>,
    %get3A_98 = arith.constant 112 : index
    %get3A_99 = tpu.vector_load %arg10[%get3A_98] {strides = array<i32>} : memref<512xi32, #tpu.memory_space<vmem>>, vector<16xi32>,
    %shift_right_logical3A_100 = arith.constant 4 : i32
    %shift_right_logical3A_101 = vector.broadcast %shift_right_logical3A_100 : i32 to vector<16xi32>
    %shift_right_logical3A_102 = arith.shrui %get3A_99, %shift_right_logical3A_101 : vector<16xi32>
    %swap3A_103 = arith.constant 112 : index
    %swap3A_104 = tpu.vector_load %arg12[%swap3A_103] {strides = array<i32>} : memref<512xi32, #tpu.memory_space<vmem>>, vector<16xi32>,
    tpu.vector_store %arg12[%swap3A_103], %shift_right_logical3A_102 {strides = array<i32>} : memref<512xi32, #tpu.memory_space<vmem>>, vector<16xi32>,
    %get3A_105 = arith.constant 112 : index
    %get3A_106 = tpu.vector_load %arg11[%get3A_105] {strides = array<i32>} : memref<512xi32, #tpu.memory_space<vmem>>, vector<16xi32>,
    %shift_right_logical3A_107 = arith.constant 4 : i32
    %shift_right_logical3A_108 = vector.broadcast %shift_right_logical3A_107 : i32 to vector<16xi32>
    %shift_right_logical3A_109 = arith.shrui %get3A_106, %shift_right_logical3A_108 : vector<16xi32>
    %swap3A_110 = arith.constant 112 : index
    %swap3A_111 = tpu.vector_load %arg13[%swap3A_110] {strides = array<i32>} : memref<512xi32, #tpu.memory_space<vmem>>, vector<16xi32>,
    tpu.vector_store %arg13[%swap3A_110], %shift_right_logical3A_109 {strides = array<i32>} : memref<512xi32, #tpu.memory_space<vmem>>, vector<16xi32>,
    %get3A_112 = arith.constant 128 : index
    %get3A_113 = tpu.vector_load %arg10[%get3A_112] {strides = array<i32>} : memref<512xi32, #tpu.memory_space<vmem>>, vector<16xi32>,
    %shift_right_logical3A_114 = arith.constant 4 : i32
    %shift_right_logical3A_115 = vector.broadcast %shift_right_logical3A_114 : i32 to vector<16xi32>
    %shift_right_logical3A_116 = arith.shrui %get3A_113, %shift_right_logical3A_115 : vector<16xi32>
    %swap3A_117 = arith.constant 128 : index
    %swap3A_118 = tpu.vector_load %arg12[%swap3A_117] {strides = array<i32>} : memref<512xi32, #tpu.memory_space<vmem>>, vector<16xi32>,
    tpu.vector_store %arg12[%swap3A_117], %shift_right_logical3A_116 {strides = array<i32>} : memref<512xi32, #tpu.memory_space<vmem>>, vector<16xi32>,
    %get3A_119 = arith.constant 128 : index
    %get3A_120 = tpu.vector_load %arg11[%get3A_119] {strides = array<i32>} : memref<512xi32, #tpu.memory_space<vmem>>, vector<16xi32>,
    %shift_right_logical3A_121 = arith.constant 4 : i32
    %shift_right_logical3A_122 = vector.broadcast %shift_right_logical3A_121 : i32 to vector<16xi32>
    %shift_right_logical3A_123 = arith.shrui %get3A_120, %shift_right_logical3A_122 : vector<16xi32>
    %swap3A_124 = arith.constant 128 : index
    %swap3A_125 = tpu.vector_load %arg13[%swap3A_124] {strides = array<i32>} : memref<512xi32, #tpu.memory_space<vmem>>, vector<16xi32>,
    tpu.vector_store %arg13[%swap3A_124], %shift_right_logical3A_123 {strides = array<i32>} : memref<512xi32, #tpu.memory_space<vmem>>, vector<16xi32>,
    %get3A_126 = arith.constant 144 : index
    %get3A_127 = tpu.vector_load %arg10[%get3A_126] {strides = array<i32>} : memref<512xi32, #tpu.memory_space<vmem>>, vector<16xi32>,
    %shift_right_logical3A_128 = arith.constant 4 : i32
    %shift_right_logical3A_129 = vector.broadcast %shift_right_logical3A_128 : i32 to vector<16xi32>
    %shift_right_logical3A_130 = arith.shrui %get3A_127, %shift_right_logical3A_129 : vector<16xi32>
    %swap3A_131 = arith.constant 144 : index
    %swap3A_132 = tpu.vector_load %arg12[%swap3A_131] {strides = array<i32>} : memref<512xi32, #tpu.memory_space<vmem>>, vector<16xi32>,
    tpu.vector_store %arg12[%swap3A_131], %shift_right_logical3A_130 {strides = array<i32>} : memref<512xi32, #tpu.memory_space<vmem>>, vector<16xi32>,
    %get3A_133 = arith.constant 144 : index
    %get3A_134 = tpu.vector_load %arg11[%get3A_133] {strides = array<i32>} : memref<512xi32, #tpu.memory_space<vmem>>, vector<16xi32>,
    %shift_right_logical3A_135 = arith.constant 4 : i32
    %shift_right_logical3A_136 = vector.broadcast %shift_right_logical3A_135 : i32 to vector<16xi32>
    %shift_right_logical3A_137 = arith.shrui %get3A_134, %shift_right_logical3A_136 : vector<16xi32>
    %swap3A_138 = arith.constant 144 : index
    %swap3A_139 = tpu.vector_load %arg13[%swap3A_138] {strides = array<i32>} : memref<512xi32, #tpu.memory_space<vmem>>, vector<16xi32>,
    tpu.vector_store %arg13[%swap3A_138], %shift_right_logical3A_137 {strides = array<i32>} : memref<512xi32, #tpu.memory_space<vmem>>, vector<16xi32>,
    %get3A_140 = arith.constant 160 : index
    %get3A_141 = tpu.vector_load %arg10[%get3A_140] {strides = array<i32>} : memref<512xi32, #tpu.memory_space<vmem>>, vector<16xi32>,
    %shift_right_logical3A_142 = arith.constant 4 : i32
    %shift_right_logical3A_143 = vector.broadcast %shift_right_logical3A_142 : i32 to vector<16xi32>
    %shift_right_logical3A_144 = arith.shrui %get3A_141, %shift_right_logical3A_143 : vector<16xi32>
    %swap3A_145 = arith.constant 160 : index
    %swap3A_146 = tpu.vector_load %arg12[%swap3A_145] {strides = array<i32>} : memref<512xi32, #tpu.memory_space<vmem>>, vector<16xi32>,
    tpu.vector_store %arg12[%swap3A_145], %shift_right_logical3A_144 {strides = array<i32>} : memref<512xi32, #tpu.memory_space<vmem>>, vector<16xi32>,
    %get3A_147 = arith.constant 160 : index
    %get3A_148 = tpu.vector_load %arg11[%get3A_147] {strides = array<i32>} : memref<512xi32, #tpu.memory_space<vmem>>, vector<16xi32>,
    %shift_right_logical3A_149 = arith.constant 4 : i32
    %shift_right_logical3A_150 = vector.broadcast %shift_right_logical3A_149 : i32 to vector<16xi32>
    %shift_right_logical3A_151 = arith.shrui %get3A_148, %shift_right_logical3A_150 : vector<16xi32>
    %swap3A_152 = arith.constant 160 : index
    %swap3A_153 = tpu.vector_load %arg13[%swap3A_152] {strides = array<i32>} : memref<512xi32, #tpu.memory_space<vmem>>, vector<16xi32>,
    tpu.vector_store %arg13[%swap3A_152], %shift_right_logical3A_151 {strides = array<i32>} : memref<512xi32, #tpu.memory_space<vmem>>, vector<16xi32>,
    %get3A_154 = arith.constant 176 : index
    %get3A_155 = tpu.vector_load %arg10[%get3A_154] {strides = array<i32>} : memref<512xi32, #tpu.memory_space<vmem>>, vector<16xi32>,
    %shift_right_logical3A_156 = arith.constant 4 : i32
    %shift_right_logical3A_157 = vector.broadcast %shift_right_logical3A_156 : i32 to vector<16xi32>
    %shift_right_logical3A_158 = arith.shrui %get3A_155, %shift_right_logical3A_157 : vector<16xi32>
    %swap3A_159 = arith.constant 176 : index
    %swap3A_160 = tpu.vector_load %arg12[%swap3A_159] {strides = array<i32>} : memref<512xi32, #tpu.memory_space<vmem>>, vector<16xi32>,
    tpu.vector_store %arg12[%swap3A_159], %shift_right_logical3A_158 {strides = array<i32>} : memref<512xi32, #tpu.memory_space<vmem>>, vector<16xi32>,
    %get3A_161 = arith.constant 176 : index
    %get3A_162 = tpu.vector_load %arg11[%get3A_161] {strides = array<i32>} : memref<512xi32, #tpu.memory_space<vmem>>, vector<16xi32>,
    %shift_right_logical3A_163 = arith.constant 4 : i32
    %shift_right_logical3A_164 = vector.broadcast %shift_right_logical3A_163 : i32 to vector<16xi32>
    %shift_right_logical3A_165 = arith.shrui %get3A_162, %shift_right_logical3A_164 : vector<16xi32>
    %swap3A_166 = arith.constant 176 : index
    %swap3A_167 = tpu.vector_load %arg13[%swap3A_166] {strides = array<i32>} : memref<512xi32, #tpu.memory_space<vmem>>, vector<16xi32>,
    tpu.vector_store %arg13[%swap3A_166], %shift_right_logical3A_165 {strides = array<i32>} : memref<512xi32, #tpu.memory_space<vmem>>, vector<16xi32>,
    %get3A_168 = arith.constant 192 : index
    %get3A_169 = tpu.vector_load %arg10[%get3A_168] {strides = array<i32>} : memref<512xi32, #tpu.memory_space<vmem>>, vector<16xi32>,
    %shift_right_logical3A_170 = arith.constant 4 : i32
    %shift_right_logical3A_171 = vector.broadcast %shift_right_logical3A_170 : i32 to vector<16xi32>
    %shift_right_logical3A_172 = arith.shrui %get3A_169, %shift_right_logical3A_171 : vector<16xi32>
    %swap3A_173 = arith.constant 192 : index
    %swap3A_174 = tpu.vector_load %arg12[%swap3A_173] {strides = array<i32>} : memref<512xi32, #tpu.memory_space<vmem>>, vector<16xi32>,
    tpu.vector_store %arg12[%swap3A_173], %shift_right_logical3A_172 {strides = array<i32>} : memref<512xi32, #tpu.memory_space<vmem>>, vector<16xi32>,
    %get3A_175 = arith.constant 192 : index
    %get3A_176 = tpu.vector_load %arg11[%get3A_175] {strides = array<i32>} : memref<512xi32, #tpu.memory_space<vmem>>, vector<16xi32>,
    %shift_right_logical3A_177 = arith.constant 4 : i32
    %shift_right_logical3A_178 = vector.broadcast %shift_right_logical3A_177 : i32 to vector<16xi32>
    %shift_right_logical3A_179 = arith.shrui %get3A_176, %shift_right_logical3A_178 : vector<16xi32>
    %swap3A_180 = arith.constant 192 : index
    %swap3A_181 = tpu.vector_load %arg13[%swap3A_180] {strides = array<i32>} : memref<512xi32, #tpu.memory_space<vmem>>, vector<16xi32>,
    tpu.vector_store %arg13[%swap3A_180], %shift_right_logical3A_179 {strides = array<i32>} : memref<512xi32, #tpu.memory_space<vmem>>, vector<16xi32>,
    %get3A_182 = arith.constant 208 : index
    %get3A_183 = tpu.vector_load %arg10[%get3A_182] {strides = array<i32>} : memref<512xi32, #tpu.memory_space<vmem>>, vector<16xi32>,
    %shift_right_logical3A_184 = arith.constant 4 : i32
    %shift_right_logical3A_185 = vector.broadcast %shift_right_logical3A_184 : i32 to vector<16xi32>
    %shift_right_logical3A_186 = arith.shrui %get3A_183, %shift_right_logical3A_185 : vector<16xi32>
    %swap3A_187 = arith.constant 208 : index
    %swap3A_188 = tpu.vector_load %arg12[%swap3A_187] {strides = array<i32>} : memref<512xi32, #tpu.memory_space<vmem>>, vector<16xi32>,
    tpu.vector_store %arg12[%swap3A_187], %shift_right_logical3A_186 {strides = array<i32>} : memref<512xi32, #tpu.memory_space<vmem>>, vector<16xi32>,
    %get3A_189 = arith.constant 208 : index
    %get3A_190 = tpu.vector_load %arg11[%get3A_189] {strides = array<i32>} : memref<512xi32, #tpu.memory_space<vmem>>, vector<16xi32>,
    %shift_right_logical3A_191 = arith.constant 4 : i32
    %shift_right_logical3A_192 = vector.broadcast %shift_right_logical3A_191 : i32 to vector<16xi32>
    %shift_right_logical3A_193 = arith.shrui %get3A_190, %shift_right_logical3A_192 : vector<16xi32>
    %swap3A_194 = arith.constant 208 : index
    %swap3A_195 = tpu.vector_load %arg13[%swap3A_194] {strides = array<i32>} : memref<512xi32, #tpu.memory_space<vmem>>, vector<16xi32>,
    tpu.vector_store %arg13[%swap3A_194], %shift_right_logical3A_193 {strides = array<i32>} : memref<512xi32, #tpu.memory_space<vmem>>, vector<16xi32>,
    %get3A_196 = arith.constant 224 : index
    %get3A_197 = tpu.vector_load %arg10[%get3A_196] {strides = array<i32>} : memref<512xi32, #tpu.memory_space<vmem>>, vector<16xi32>,
    %shift_right_logical3A_198 = arith.constant 4 : i32
    %shift_right_logical3A_199 = vector.broadcast %shift_right_logical3A_198 : i32 to vector<16xi32>
    %shift_right_logical3A_200 = arith.shrui %get3A_197, %shift_right_logical3A_199 : vector<16xi32>
    %swap3A_201 = arith.constant 224 : index
    %swap3A_202 = tpu.vector_load %arg12[%swap3A_201] {strides = array<i32>} : memref<512xi32, #tpu.memory_space<vmem>>, vector<16xi32>,
    tpu.vector_store %arg12[%swap3A_201], %shift_right_logical3A_200 {strides = array<i32>} : memref<512xi32, #tpu.memory_space<vmem>>, vector<16xi32>,
    %get3A_203 = arith.constant 224 : index
    %get3A_204 = tpu.vector_load %arg11[%get3A_203] {strides = array<i32>} : memref<512xi32, #tpu.memory_space<vmem>>, vector<16xi32>,
    %shift_right_logical3A_205 = arith.constant 4 : i32
    %shift_right_logical3A_206 = vector.broadcast %shift_right_logical3A_205 : i32 to vector<16xi32>
    %shift_right_logical3A_207 = arith.shrui %get3A_204, %shift_right_logical3A_206 : vector<16xi32>
    %swap3A_208 = arith.constant 224 : index
    %swap3A_209 = tpu.vector_load %arg13[%swap3A_208] {strides = array<i32>} : memref<512xi32, #tpu.memory_space<vmem>>, vector<16xi32>,
    tpu.vector_store %arg13[%swap3A_208], %shift_right_logical3A_207 {strides = array<i32>} : memref<512xi32, #tpu.memory_space<vmem>>, vector<16xi32>,
    %get3A_210 = arith.constant 240 : index
    %get3A_211 = tpu.vector_load %arg10[%get3A_210] {strides = array<i32>} : memref<512xi32, #tpu.memory_space<vmem>>, vector<16xi32>,
    %shift_right_logical3A_212 = arith.constant 4 : i32
    %shift_right_logical3A_213 = vector.broadcast %shift_right_logical3A_212 : i32 to vector<16xi32>
    %shift_right_logical3A_214 = arith.shrui %get3A_211, %shift_right_logical3A_213 : vector<16xi32>
    %swap3A_215 = arith.constant 240 : index
    %swap3A_216 = tpu.vector_load %arg12[%swap3A_215] {strides = array<i32>} : memref<512xi32, #tpu.memory_space<vmem>>, vector<16xi32>,
    tpu.vector_store %arg12[%swap3A_215], %shift_right_logical3A_214 {strides = array<i32>} : memref<512xi32, #tpu.memory_space<vmem>>, vector<16xi32>,
    %get3A_217 = arith.constant 240 : index
    %get3A_218 = tpu.vector_load %arg11[%get3A_217] {strides = array<i32>} : memref<512xi32, #tpu.memory_space<vmem>>, vector<16xi32>,
    %shift_right_logical3A_219 = arith.constant 4 : i32
    %shift_right_logical3A_220 = vector.broadcast %shift_right_logical3A_219 : i32 to vector<16xi32>
    %shift_right_logical3A_221 = arith.shrui %get3A_218, %shift_right_logical3A_220 : vector<16xi32>
    %swap3A_222 = arith.constant 240 : index
    %swap3A_223 = tpu.vector_load %arg13[%swap3A_222] {strides = array<i32>} : memref<512xi32, #tpu.memory_space<vmem>>, vector<16xi32>,
    tpu.vector_store %arg13[%swap3A_222], %shift_right_logical3A_221 {strides = array<i32>} : memref<512xi32, #tpu.memory_space<vmem>>, vector<16xi32>,
    %get3A_224 = arith.constant 256 : index
    %get3A_225 = tpu.vector_load %arg10[%get3A_224] {strides = array<i32>} : memref<512xi32, #tpu.memory_space<vmem>>, vector<16xi32>,
    %shift_right_logical3A_226 = arith.constant 4 : i32
    %shift_right_logical3A_227 = vector.broadcast %shift_right_logical3A_226 : i32 to vector<16xi32>
    %shift_right_logical3A_228 = arith.shrui %get3A_225, %shift_right_logical3A_227 : vector<16xi32>
    %swap3A_229 = arith.constant 256 : index
    %swap3A_230 = tpu.vector_load %arg12[%swap3A_229] {strides = array<i32>} : memref<512xi32, #tpu.memory_space<vmem>>, vector<16xi32>,
    tpu.vector_store %arg12[%swap3A_229], %shift_right_logical3A_228 {strides = array<i32>} : memref<512xi32, #tpu.memory_space<vmem>>, vector<16xi32>,
    %get3A_231 = arith.constant 256 : index
    %get3A_232 = tpu.vector_load %arg11[%get3A_231] {strides = array<i32>} : memref<512xi32, #tpu.memory_space<vmem>>, vector<16xi32>,
    %shift_right_logical3A_233 = arith.constant 4 : i32
    %shift_right_logical3A_234 = vector.broadcast %shift_right_logical3A_233 : i32 to vector<16xi32>
    %shift_right_logical3A_235 = arith.shrui %get3A_232, %shift_right_logical3A_234 : vector<16xi32>
    %swap3A_236 = arith.constant 256 : index
    %swap3A_237 = tpu.vector_load %arg13[%swap3A_236] {strides = array<i32>} : memref<512xi32, #tpu.memory_space<vmem>>, vector<16xi32>,
    tpu.vector_store %arg13[%swap3A_236], %shift_right_logical3A_235 {strides = array<i32>} : memref<512xi32, #tpu.memory_space<vmem>>, vector<16xi32>,
    %get3A_238 = arith.constant 272 : index
    %get3A_239 = tpu.vector_load %arg10[%get3A_238] {strides = array<i32>} : memref<512xi32, #tpu.memory_space<vmem>>, vector<16xi32>,
    %shift_right_logical3A_240 = arith.constant 4 : i32
    %shift_right_logical3A_241 = vector.broadcast %shift_right_logical3A_240 : i32 to vector<16xi32>
    %shift_right_logical3A_242 = arith.shrui %get3A_239, %shift_right_logical3A_241 : vector<16xi32>
    %swap3A_243 = arith.constant 272 : index
    %swap3A_244 = tpu.vector_load %arg12[%swap3A_243] {strides = array<i32>} : memref<512xi32, #tpu.memory_space<vmem>>, vector<16xi32>,
    tpu.vector_store %arg12[%swap3A_243], %shift_right_logical3A_242 {strides = array<i32>} : memref<512xi32, #tpu.memory_space<vmem>>, vector<16xi32>,
    %get3A_245 = arith.constant 272 : index
    %get3A_246 = tpu.vector_load %arg11[%get3A_245] {strides = array<i32>} : memref<512xi32, #tpu.memory_space<vmem>>, vector<16xi32>,
    %shift_right_logical3A_247 = arith.constant 4 : i32
    %shift_right_logical3A_248 = vector.broadcast %shift_right_logical3A_247 : i32 to vector<16xi32>
    %shift_right_logical3A_249 = arith.shrui %get3A_246, %shift_right_logical3A_248 : vector<16xi32>
    %swap3A_250 = arith.constant 272 : index
    %swap3A_251 = tpu.vector_load %arg13[%swap3A_250] {strides = array<i32>} : memref<512xi32, #tpu.memory_space<vmem>>, vector<16xi32>,
    tpu.vector_store %arg13[%swap3A_250], %shift_right_logical3A_249 {strides = array<i32>} : memref<512xi32, #tpu.memory_space<vmem>>, vector<16xi32>,
    %get3A_252 = arith.constant 288 : index
    %get3A_253 = tpu.vector_load %arg10[%get3A_252] {strides = array<i32>} : memref<512xi32, #tpu.memory_space<vmem>>, vector<16xi32>,
    %shift_right_logical3A_254 = arith.constant 4 : i32
    %shift_right_logical3A_255 = vector.broadcast %shift_right_logical3A_254 : i32 to vector<16xi32>
    %shift_right_logical3A_256 = arith.shrui %get3A_253, %shift_right_logical3A_255 : vector<16xi32>
    %swap3A_257 = arith.constant 288 : index
    %swap3A_258 = tpu.vector_load %arg12[%swap3A_257] {strides = array<i32>} : memref<512xi32, #tpu.memory_space<vmem>>, vector<16xi32>,
    tpu.vector_store %arg12[%swap3A_257], %shift_right_logical3A_256 {strides = array<i32>} : memref<512xi32, #tpu.memory_space<vmem>>, vector<16xi32>,
    %get3A_259 = arith.constant 288 : index
    %get3A_260 = tpu.vector_load %arg11[%get3A_259] {strides = array<i32>} : memref<512xi32, #tpu.memory_space<vmem>>, vector<16xi32>,
    %shift_right_logical3A_261 = arith.constant 4 : i32
    %shift_right_logical3A_262 = vector.broadcast %shift_right_logical3A_261 : i32 to vector<16xi32>
    %shift_right_logical3A_263 = arith.shrui %get3A_260, %shift_right_logical3A_262 : vector<16xi32>
    %swap3A_264 = arith.constant 288 : index
    %swap3A_265 = tpu.vector_load %arg13[%swap3A_264] {strides = array<i32>} : memref<512xi32, #tpu.memory_space<vmem>>, vector<16xi32>,
    tpu.vector_store %arg13[%swap3A_264], %shift_right_logical3A_263 {strides = array<i32>} : memref<512xi32, #tpu.memory_space<vmem>>, vector<16xi32>,
    %get3A_266 = arith.constant 304 : index
    %get3A_267 = tpu.vector_load %arg10[%get3A_266] {strides = array<i32>} : memref<512xi32, #tpu.memory_space<vmem>>, vector<16xi32>,
    %shift_right_logical3A_268 = arith.constant 4 : i32
    %shift_right_logical3A_269 = vector.broadcast %shift_right_logical3A_268 : i32 to vector<16xi32>
    %shift_right_logical3A_270 = arith.shrui %get3A_267, %shift_right_logical3A_269 : vector<16xi32>
    %swap3A_271 = arith.constant 304 : index
    %swap3A_272 = tpu.vector_load %arg12[%swap3A_271] {strides = array<i32>} : memref<512xi32, #tpu.memory_space<vmem>>, vector<16xi32>,
    tpu.vector_store %arg12[%swap3A_271], %shift_right_logical3A_270 {strides = array<i32>} : memref<512xi32, #tpu.memory_space<vmem>>, vector<16xi32>,
    %get3A_273 = arith.constant 304 : index
    %get3A_274 = tpu.vector_load %arg11[%get3A_273] {strides = array<i32>} : memref<512xi32, #tpu.memory_space<vmem>>, vector<16xi32>,
    %shift_right_logical3A_275 = arith.constant 4 : i32
    %shift_right_logical3A_276 = vector.broadcast %shift_right_logical3A_275 : i32 to vector<16xi32>
    %shift_right_logical3A_277 = arith.shrui %get3A_274, %shift_right_logical3A_276 : vector<16xi32>
    %swap3A_278 = arith.constant 304 : index
    %swap3A_279 = tpu.vector_load %arg13[%swap3A_278] {strides = array<i32>} : memref<512xi32, #tpu.memory_space<vmem>>, vector<16xi32>,
    tpu.vector_store %arg13[%swap3A_278], %shift_right_logical3A_277 {strides = array<i32>} : memref<512xi32, #tpu.memory_space<vmem>>, vector<16xi32>,
    %get3A_280 = arith.constant 320 : index
    %get3A_281 = tpu.vector_load %arg10[%get3A_280] {strides = array<i32>} : memref<512xi32, #tpu.memory_space<vmem>>, vector<16xi32>,
    %shift_right_logical3A_282 = arith.constant 4 : i32
    %shift_right_logical3A_283 = vector.broadcast %shift_right_logical3A_282 : i32 to vector<16xi32>
    %shift_right_logical3A_284 = arith.shrui %get3A_281, %shift_right_logical3A_283 : vector<16xi32>
    %swap3A_285 = arith.constant 320 : index
    %swap3A_286 = tpu.vector_load %arg12[%swap3A_285] {strides = array<i32>} : memref<512xi32, #tpu.memory_space<vmem>>, vector<16xi32>,
    tpu.vector_store %arg12[%swap3A_285], %shift_right_logical3A_284 {strides = array<i32>} : memref<512xi32, #tpu.memory_space<vmem>>, vector<16xi32>,
    %get3A_287 = arith.constant 320 : index
    %get3A_288 = tpu.vector_load %arg11[%get3A_287] {strides = array<i32>} : memref<512xi32, #tpu.memory_space<vmem>>, vector<16xi32>,
    %shift_right_logical3A_289 = arith.constant 4 : i32
    %shift_right_logical3A_290 = vector.broadcast %shift_right_logical3A_289 : i32 to vector<16xi32>
    %shift_right_logical3A_291 = arith.shrui %get3A_288, %shift_right_logical3A_290 : vector<16xi32>
    %swap3A_292 = arith.constant 320 : index
    %swap3A_293 = tpu.vector_load %arg13[%swap3A_292] {strides = array<i32>} : memref<512xi32, #tpu.memory_space<vmem>>, vector<16xi32>,
    tpu.vector_store %arg13[%swap3A_292], %shift_right_logical3A_291 {strides = array<i32>} : memref<512xi32, #tpu.memory_space<vmem>>, vector<16xi32>,
    %get3A_294 = arith.constant 336 : index
    %get3A_295 = tpu.vector_load %arg10[%get3A_294] {strides = array<i32>} : memref<512xi32, #tpu.memory_space<vmem>>, vector<16xi32>,
    %shift_right_logical3A_296 = arith.constant 4 : i32
    %shift_right_logical3A_297 = vector.broadcast %shift_right_logical3A_296 : i32 to vector<16xi32>
    %shift_right_logical3A_298 = arith.shrui %get3A_295, %shift_right_logical3A_297 : vector<16xi32>
    %swap3A_299 = arith.constant 336 : index
    %swap3A_300 = tpu.vector_load %arg12[%swap3A_299] {strides = array<i32>} : memref<512xi32, #tpu.memory_space<vmem>>, vector<16xi32>,
    tpu.vector_store %arg12[%swap3A_299], %shift_right_logical3A_298 {strides = array<i32>} : memref<512xi32, #tpu.memory_space<vmem>>, vector<16xi32>,
    %get3A_301 = arith.constant 336 : index
    %get3A_302 = tpu.vector_load %arg11[%get3A_301] {strides = array<i32>} : memref<512xi32, #tpu.memory_space<vmem>>, vector<16xi32>,
    %shift_right_logical3A_303 = arith.constant 4 : i32
    %shift_right_logical3A_304 = vector.broadcast %shift_right_logical3A_303 : i32 to vector<16xi32>
    %shift_right_logical3A_305 = arith.shrui %get3A_302, %shift_right_logical3A_304 : vector<16xi32>
    %swap3A_306 = arith.constant 336 : index
    %swap3A_307 = tpu.vector_load %arg13[%swap3A_306] {strides = array<i32>} : memref<512xi32, #tpu.memory_space<vmem>>, vector<16xi32>,
    tpu.vector_store %arg13[%swap3A_306], %shift_right_logical3A_305 {strides = array<i32>} : memref<512xi32, #tpu.memory_space<vmem>>, vector<16xi32>,
    %get3A_308 = arith.constant 352 : index
    %get3A_309 = tpu.vector_load %arg10[%get3A_308] {strides = array<i32>} : memref<512xi32, #tpu.memory_space<vmem>>, vector<16xi32>,
    %shift_right_logical3A_310 = arith.constant 4 : i32
    %shift_right_logical3A_311 = vector.broadcast %shift_right_logical3A_310 : i32 to vector<16xi32>
    %shift_right_logical3A_312 = arith.shrui %get3A_309, %shift_right_logical3A_311 : vector<16xi32>
    %swap3A_313 = arith.constant 352 : index
    %swap3A_314 = tpu.vector_load %arg12[%swap3A_313] {strides = array<i32>} : memref<512xi32, #tpu.memory_space<vmem>>, vector<16xi32>,
    tpu.vector_store %arg12[%swap3A_313], %shift_right_logical3A_312 {strides = array<i32>} : memref<512xi32, #tpu.memory_space<vmem>>, vector<16xi32>,
    %get3A_315 = arith.constant 352 : index
    %get3A_316 = tpu.vector_load %arg11[%get3A_315] {strides = array<i32>} : memref<512xi32, #tpu.memory_space<vmem>>, vector<16xi32>,
    %shift_right_logical3A_317 = arith.constant 4 : i32
    %shift_right_logical3A_318 = vector.broadcast %shift_right_logical3A_317 : i32 to vector<16xi32>
    %shift_right_logical3A_319 = arith.shrui %get3A_316, %shift_right_logical3A_318 : vector<16xi32>
    %swap3A_320 = arith.constant 352 : index
    %swap3A_321 = tpu.vector_load %arg13[%swap3A_320] {strides = array<i32>} : memref<512xi32, #tpu.memory_space<vmem>>, vector<16xi32>,
    tpu.vector_store %arg13[%swap3A_320], %shift_right_logical3A_319 {strides = array<i32>} : memref<512xi32, #tpu.memory_space<vmem>>, vector<16xi32>,
    %get3A_322 = arith.constant 368 : index
    %get3A_323 = tpu.vector_load %arg10[%get3A_322] {strides = array<i32>} : memref<512xi32, #tpu.memory_space<vmem>>, vector<16xi32>,
    %shift_right_logical3A_324 = arith.constant 4 : i32
    %shift_right_logical3A_325 = vector.broadcast %shift_right_logical3A_324 : i32 to vector<16xi32>
    %shift_right_logical3A_326 = arith.shrui %get3A_323, %shift_right_logical3A_325 : vector<16xi32>
    %swap3A_327 = arith.constant 368 : index
    %swap3A_328 = tpu.vector_load %arg12[%swap3A_327] {strides = array<i32>} : memref<512xi32, #tpu.memory_space<vmem>>, vector<16xi32>,
    tpu.vector_store %arg12[%swap3A_327], %shift_right_logical3A_326 {strides = array<i32>} : memref<512xi32, #tpu.memory_space<vmem>>, vector<16xi32>,
    %get3A_329 = arith.constant 368 : index
    %get3A_330 = tpu.vector_load %arg11[%get3A_329] {strides = array<i32>} : memref<512xi32, #tpu.memory_space<vmem>>, vector<16xi32>,
    %shift_right_logical3A_331 = arith.constant 4 : i32
    %shift_right_logical3A_332 = vector.broadcast %shift_right_logical3A_331 : i32 to vector<16xi32>
    %shift_right_logical3A_333 = arith.shrui %get3A_330, %shift_right_logical3A_332 : vector<16xi32>
    %swap3A_334 = arith.constant 368 : index
    %swap3A_335 = tpu.vector_load %arg13[%swap3A_334] {strides = array<i32>} : memref<512xi32, #tpu.memory_space<vmem>>, vector<16xi32>,
    tpu.vector_store %arg13[%swap3A_334], %shift_right_logical3A_333 {strides = array<i32>} : memref<512xi32, #tpu.memory_space<vmem>>, vector<16xi32>,
    %get3A_336 = arith.constant 384 : index
    %get3A_337 = tpu.vector_load %arg10[%get3A_336] {strides = array<i32>} : memref<512xi32, #tpu.memory_space<vmem>>, vector<16xi32>,
    %shift_right_logical3A_338 = arith.constant 4 : i32
    %shift_right_logical3A_339 = vector.broadcast %shift_right_logical3A_338 : i32 to vector<16xi32>
    %shift_right_logical3A_340 = arith.shrui %get3A_337, %shift_right_logical3A_339 : vector<16xi32>
    %swap3A_341 = arith.constant 384 : index
    %swap3A_342 = tpu.vector_load %arg12[%swap3A_341] {strides = array<i32>} : memref<512xi32, #tpu.memory_space<vmem>>, vector<16xi32>,
    tpu.vector_store %arg12[%swap3A_341], %shift_right_logical3A_340 {strides = array<i32>} : memref<512xi32, #tpu.memory_space<vmem>>, vector<16xi32>,
    %get3A_343 = arith.constant 384 : index
    %get3A_344 = tpu.vector_load %arg11[%get3A_343] {strides = array<i32>} : memref<512xi32, #tpu.memory_space<vmem>>, vector<16xi32>,
    %shift_right_logical3A_345 = arith.constant 4 : i32
    %shift_right_logical3A_346 = vector.broadcast %shift_right_logical3A_345 : i32 to vector<16xi32>
    %shift_right_logical3A_347 = arith.shrui %get3A_344, %shift_right_logical3A_346 : vector<16xi32>
    %swap3A_348 = arith.constant 384 : index
    %swap3A_349 = tpu.vector_load %arg13[%swap3A_348] {strides = array<i32>} : memref<512xi32, #tpu.memory_space<vmem>>, vector<16xi32>,
    tpu.vector_store %arg13[%swap3A_348], %shift_right_logical3A_347 {strides = array<i32>} : memref<512xi32, #tpu.memory_space<vmem>>, vector<16xi32>,
    %get3A_350 = arith.constant 400 : index
    %get3A_351 = tpu.vector_load %arg10[%get3A_350] {strides = array<i32>} : memref<512xi32, #tpu.memory_space<vmem>>, vector<16xi32>,
    %shift_right_logical3A_352 = arith.constant 4 : i32
    %shift_right_logical3A_353 = vector.broadcast %shift_right_logical3A_352 : i32 to vector<16xi32>
    %shift_right_logical3A_354 = arith.shrui %get3A_351, %shift_right_logical3A_353 : vector<16xi32>
    %swap3A_355 = arith.constant 400 : index
    %swap3A_356 = tpu.vector_load %arg12[%swap3A_355] {strides = array<i32>} : memref<512xi32, #tpu.memory_space<vmem>>, vector<16xi32>,
    tpu.vector_store %arg12[%swap3A_355], %shift_right_logical3A_354 {strides = array<i32>} : memref<512xi32, #tpu.memory_space<vmem>>, vector<16xi32>,
    %get3A_357 = arith.constant 400 : index
    %get3A_358 = tpu.vector_load %arg11[%get3A_357] {strides = array<i32>} : memref<512xi32, #tpu.memory_space<vmem>>, vector<16xi32>,
    %shift_right_logical3A_359 = arith.constant 4 : i32
    %shift_right_logical3A_360 = vector.broadcast %shift_right_logical3A_359 : i32 to vector<16xi32>
    %shift_right_logical3A_361 = arith.shrui %get3A_358, %shift_right_logical3A_360 : vector<16xi32>
    %swap3A_362 = arith.constant 400 : index
    %swap3A_363 = tpu.vector_load %arg13[%swap3A_362] {strides = array<i32>} : memref<512xi32, #tpu.memory_space<vmem>>, vector<16xi32>,
    tpu.vector_store %arg13[%swap3A_362], %shift_right_logical3A_361 {strides = array<i32>} : memref<512xi32, #tpu.memory_space<vmem>>, vector<16xi32>,
    %get3A_364 = arith.constant 416 : index
    %get3A_365 = tpu.vector_load %arg10[%get3A_364] {strides = array<i32>} : memref<512xi32, #tpu.memory_space<vmem>>, vector<16xi32>,
    %shift_right_logical3A_366 = arith.constant 4 : i32
    %shift_right_logical3A_367 = vector.broadcast %shift_right_logical3A_366 : i32 to vector<16xi32>
    %shift_right_logical3A_368 = arith.shrui %get3A_365, %shift_right_logical3A_367 : vector<16xi32>
    %swap3A_369 = arith.constant 416 : index
    %swap3A_370 = tpu.vector_load %arg12[%swap3A_369] {strides = array<i32>} : memref<512xi32, #tpu.memory_space<vmem>>, vector<16xi32>,
    tpu.vector_store %arg12[%swap3A_369], %shift_right_logical3A_368 {strides = array<i32>} : memref<512xi32, #tpu.memory_space<vmem>>, vector<16xi32>,
    %get3A_371 = arith.constant 416 : index
    %get3A_372 = tpu.vector_load %arg11[%get3A_371] {strides = array<i32>} : memref<512xi32, #tpu.memory_space<vmem>>, vector<16xi32>,
    %shift_right_logical3A_373 = arith.constant 4 : i32
    %shift_right_logical3A_374 = vector.broadcast %shift_right_logical3A_373 : i32 to vector<16xi32>
    %shift_right_logical3A_375 = arith.shrui %get3A_372, %shift_right_logical3A_374 : vector<16xi32>
    %swap3A_376 = arith.constant 416 : index
    %swap3A_377 = tpu.vector_load %arg13[%swap3A_376] {strides = array<i32>} : memref<512xi32, #tpu.memory_space<vmem>>, vector<16xi32>,
    tpu.vector_store %arg13[%swap3A_376], %shift_right_logical3A_375 {strides = array<i32>} : memref<512xi32, #tpu.memory_space<vmem>>, vector<16xi32>,
    %get3A_378 = arith.constant 432 : index
    %get3A_379 = tpu.vector_load %arg10[%get3A_378] {strides = array<i32>} : memref<512xi32, #tpu.memory_space<vmem>>, vector<16xi32>,
    %shift_right_logical3A_380 = arith.constant 4 : i32
    %shift_right_logical3A_381 = vector.broadcast %shift_right_logical3A_380 : i32 to vector<16xi32>
    %shift_right_logical3A_382 = arith.shrui %get3A_379, %shift_right_logical3A_381 : vector<16xi32>
    %swap3A_383 = arith.constant 432 : index
    %swap3A_384 = tpu.vector_load %arg12[%swap3A_383] {strides = array<i32>} : memref<512xi32, #tpu.memory_space<vmem>>, vector<16xi32>,
    tpu.vector_store %arg12[%swap3A_383], %shift_right_logical3A_382 {strides = array<i32>} : memref<512xi32, #tpu.memory_space<vmem>>, vector<16xi32>,
    %get3A_385 = arith.constant 432 : index
    %get3A_386 = tpu.vector_load %arg11[%get3A_385] {strides = array<i32>} : memref<512xi32, #tpu.memory_space<vmem>>, vector<16xi32>,
    %shift_right_logical3A_387 = arith.constant 4 : i32
    %shift_right_logical3A_388 = vector.broadcast %shift_right_logical3A_387 : i32 to vector<16xi32>
    %shift_right_logical3A_389 = arith.shrui %get3A_386, %shift_right_logical3A_388 : vector<16xi32>
    %swap3A_390 = arith.constant 432 : index
    %swap3A_391 = tpu.vector_load %arg13[%swap3A_390] {strides = array<i32>} : memref<512xi32, #tpu.memory_space<vmem>>, vector<16xi32>,
    tpu.vector_store %arg13[%swap3A_390], %shift_right_logical3A_389 {strides = array<i32>} : memref<512xi32, #tpu.memory_space<vmem>>, vector<16xi32>,
    %get3A_392 = arith.constant 448 : index
    %get3A_393 = tpu.vector_load %arg10[%get3A_392] {strides = array<i32>} : memref<512xi32, #tpu.memory_space<vmem>>, vector<16xi32>,
    %shift_right_logical3A_394 = arith.constant 4 : i32
    %shift_right_logical3A_395 = vector.broadcast %shift_right_logical3A_394 : i32 to vector<16xi32>
    %shift_right_logical3A_396 = arith.shrui %get3A_393, %shift_right_logical3A_395 : vector<16xi32>
    %swap3A_397 = arith.constant 448 : index
    %swap3A_398 = tpu.vector_load %arg12[%swap3A_397] {strides = array<i32>} : memref<512xi32, #tpu.memory_space<vmem>>, vector<16xi32>,
    tpu.vector_store %arg12[%swap3A_397], %shift_right_logical3A_396 {strides = array<i32>} : memref<512xi32, #tpu.memory_space<vmem>>, vector<16xi32>,
    %get3A_399 = arith.constant 448 : index
    %get3A_400 = tpu.vector_load %arg11[%get3A_399] {strides = array<i32>} : memref<512xi32, #tpu.memory_space<vmem>>, vector<16xi32>,
    %shift_right_logical3A_401 = arith.constant 4 : i32
    %shift_right_logical3A_402 = vector.broadcast %shift_right_logical3A_401 : i32 to vector<16xi32>
    %shift_right_logical3A_403 = arith.shrui %get3A_400, %shift_right_logical3A_402 : vector<16xi32>
    %swap3A_404 = arith.constant 448 : index
    %swap3A_405 = tpu.vector_load %arg13[%swap3A_404] {strides = array<i32>} : memref<512xi32, #tpu.memory_space<vmem>>, vector<16xi32>,
    tpu.vector_store %arg13[%swap3A_404], %shift_right_logical3A_403 {strides = array<i32>} : memref<512xi32, #tpu.memory_space<vmem>>, vector<16xi32>,
    %get3A_406 = arith.constant 464 : index
    %get3A_407 = tpu.vector_load %arg10[%get3A_406] {strides = array<i32>} : memref<512xi32, #tpu.memory_space<vmem>>, vector<16xi32>,
    %shift_right_logical3A_408 = arith.constant 4 : i32
    %shift_right_logical3A_409 = vector.broadcast %shift_right_logical3A_408 : i32 to vector<16xi32>
    %shift_right_logical3A_410 = arith.shrui %get3A_407, %shift_right_logical3A_409 : vector<16xi32>
    %swap3A_411 = arith.constant 464 : index
    %swap3A_412 = tpu.vector_load %arg12[%swap3A_411] {strides = array<i32>} : memref<512xi32, #tpu.memory_space<vmem>>, vector<16xi32>,
    tpu.vector_store %arg12[%swap3A_411], %shift_right_logical3A_410 {strides = array<i32>} : memref<512xi32, #tpu.memory_space<vmem>>, vector<16xi32>,
    %get3A_413 = arith.constant 464 : index
    %get3A_414 = tpu.vector_load %arg11[%get3A_413] {strides = array<i32>} : memref<512xi32, #tpu.memory_space<vmem>>, vector<16xi32>,
    %shift_right_logical3A_415 = arith.constant 4 : i32
    %shift_right_logical3A_416 = vector.broadcast %shift_right_logical3A_415 : i32 to vector<16xi32>
    %shift_right_logical3A_417 = arith.shrui %get3A_414, %shift_right_logical3A_416 : vector<16xi32>
    %swap3A_418 = arith.constant 464 : index
    %swap3A_419 = tpu.vector_load %arg13[%swap3A_418] {strides = array<i32>} : memref<512xi32, #tpu.memory_space<vmem>>, vector<16xi32>,
    tpu.vector_store %arg13[%swap3A_418], %shift_right_logical3A_417 {strides = array<i32>} : memref<512xi32, #tpu.memory_space<vmem>>, vector<16xi32>,
    %get3A_420 = arith.constant 480 : index
    %get3A_421 = tpu.vector_load %arg10[%get3A_420] {strides = array<i32>} : memref<512xi32, #tpu.memory_space<vmem>>, vector<16xi32>,
    %shift_right_logical3A_422 = arith.constant 4 : i32
    %shift_right_logical3A_423 = vector.broadcast %shift_right_logical3A_422 : i32 to vector<16xi32>
    %shift_right_logical3A_424 = arith.shrui %get3A_421, %shift_right_logical3A_423 : vector<16xi32>
    %swap3A_425 = arith.constant 480 : index
    %swap3A_426 = tpu.vector_load %arg12[%swap3A_425] {strides = array<i32>} : memref<512xi32, #tpu.memory_space<vmem>>, vector<16xi32>,
    tpu.vector_store %arg12[%swap3A_425], %shift_right_logical3A_424 {strides = array<i32>} : memref<512xi32, #tpu.memory_space<vmem>>, vector<16xi32>,
    %get3A_427 = arith.constant 480 : index
    %get3A_428 = tpu.vector_load %arg11[%get3A_427] {strides = array<i32>} : memref<512xi32, #tpu.memory_space<vmem>>, vector<16xi32>,
    %shift_right_logical3A_429 = arith.constant 4 : i32
    %shift_right_logical3A_430 = vector.broadcast %shift_right_logical3A_429 : i32 to vector<16xi32>
    %shift_right_logical3A_431 = arith.shrui %get3A_428, %shift_right_logical3A_430 : vector<16xi32>
    %swap3A_432 = arith.constant 480 : index
    %swap3A_433 = tpu.vector_load %arg13[%swap3A_432] {strides = array<i32>} : memref<512xi32, #tpu.memory_space<vmem>>, vector<16xi32>,
    tpu.vector_store %arg13[%swap3A_432], %shift_right_logical3A_431 {strides = array<i32>} : memref<512xi32, #tpu.memory_space<vmem>>, vector<16xi32>,
    %get3A_434 = arith.constant 496 : index
    %get3A_435 = tpu.vector_load %arg10[%get3A_434] {strides = array<i32>} : memref<512xi32, #tpu.memory_space<vmem>>, vector<16xi32>,
    %shift_right_logical3A_436 = arith.constant 4 : i32
    %shift_right_logical3A_437 = vector.broadcast %shift_right_logical3A_436 : i32 to vector<16xi32>
    %shift_right_logical3A_438 = arith.shrui %get3A_435, %shift_right_logical3A_437 : vector<16xi32>
    %swap3A_439 = arith.constant 496 : index
    %swap3A_440 = tpu.vector_load %arg12[%swap3A_439] {strides = array<i32>} : memref<512xi32, #tpu.memory_space<vmem>>, vector<16xi32>,
    tpu.vector_store %arg12[%swap3A_439], %shift_right_logical3A_438 {strides = array<i32>} : memref<512xi32, #tpu.memory_space<vmem>>, vector<16xi32>,
    %get3A_441 = arith.constant 496 : index
    %get3A_442 = tpu.vector_load %arg11[%get3A_441] {strides = array<i32>} : memref<512xi32, #tpu.memory_space<vmem>>, vector<16xi32>,
    %shift_right_logical3A_443 = arith.constant 4 : i32
    %shift_right_logical3A_444 = vector.broadcast %shift_right_logical3A_443 : i32 to vector<16xi32>
    %shift_right_logical3A_445 = arith.shrui %get3A_442, %shift_right_logical3A_444 : vector<16xi32>
    %swap3A_446 = arith.constant 496 : index
    %swap3A_447 = tpu.vector_load %arg13[%swap3A_446] {strides = array<i32>} : memref<512xi32, #tpu.memory_space<vmem>>, vector<16xi32>,
    tpu.vector_store %arg13[%swap3A_446], %shift_right_logical3A_445 {strides = array<i32>} : memref<512xi32, #tpu.memory_space<vmem>>, vector<16xi32>,
    %dma_start3A = arith.constant 0 : i32
    %dma_start3A_448 = arith.constant 0 : i32
    %dma_start3A_449 = tpu.memref_slice %arg14[%dma_start3A, %dma_start3A_448] : memref<512x16xf32, #tpu.memory_space<vmem>> -> memref<128x16xf32, #tpu.memory_space<vmem>>
    %dma_start3A_450 = arith.constant 0 : i32
    %dma_start3A_451 = tpu.memref_slice %arg10[%dma_start3A_450] : memref<512xi32, #tpu.memory_space<vmem>> -> memref<128xi32, #tpu.memory_space<vmem>>
    %dma_start3A_452 = arith.constant 0 : i32
    %dma_start3A_453 = arith.constant 0 : i32
    %dma_start3A_454 = tpu.memref_slice %arg4[%dma_start3A_452, %dma_start3A_453] : memref<1000001x16xf32, #tpu.memory_space<hbm>> -> memref<1000001x16xf32, #tpu.memory_space<hbm>>
    tpu.enqueue_indirect_dma source(%dma_start3A_454 : memref<1000001x16xf32, #tpu.memory_space<hbm>>) target(%dma_start3A_449 : memref<128x16xf32, #tpu.memory_space<vmem>>) offsets(%dma_start3A_451 : memref<128xi32, #tpu.memory_space<vmem>>) semaphore(%arg20 : memref<!tpu.dma_semaphore, #tpu.memory_space<semaphore_mem>>)
    %dma_start3A_455 = arith.constant 0 : i32
    %dma_start3A_456 = arith.constant 0 : i32
    %dma_start3A_457 = tpu.memref_slice %arg15[%dma_start3A_455, %dma_start3A_456] : memref<512x16xf32, #tpu.memory_space<vmem>> -> memref<128x16xf32, #tpu.memory_space<vmem>>
    %dma_start3A_458 = arith.constant 0 : i32
    %dma_start3A_459 = tpu.memref_slice %arg11[%dma_start3A_458] : memref<512xi32, #tpu.memory_space<vmem>> -> memref<128xi32, #tpu.memory_space<vmem>>
    %dma_start3A_460 = arith.constant 0 : i32
    %dma_start3A_461 = arith.constant 0 : i32
    %dma_start3A_462 = tpu.memref_slice %arg5[%dma_start3A_460, %dma_start3A_461] : memref<1000001x16xf32, #tpu.memory_space<hbm>> -> memref<1000001x16xf32, #tpu.memory_space<hbm>>
    tpu.enqueue_indirect_dma source(%dma_start3A_462 : memref<1000001x16xf32, #tpu.memory_space<hbm>>) target(%dma_start3A_457 : memref<128x16xf32, #tpu.memory_space<vmem>>) offsets(%dma_start3A_459 : memref<128xi32, #tpu.memory_space<vmem>>) semaphore(%arg20 : memref<!tpu.dma_semaphore, #tpu.memory_space<semaphore_mem>>)
    %dma_start3A_463 = arith.constant 0 : i32
    %dma_start3A_464 = arith.constant 0 : i32
    %dma_start3A_465 = tpu.memref_slice %arg16[%dma_start3A_463, %dma_start3A_464] : memref<512x16xf32, #tpu.memory_space<vmem>> -> memref<128x16xf32, #tpu.memory_space<vmem>>
    %dma_start3A_466 = arith.constant 0 : i32
    %dma_start3A_467 = tpu.memref_slice %arg12[%dma_start3A_466] : memref<512xi32, #tpu.memory_space<vmem>> -> memref<128xi32, #tpu.memory_space<vmem>>
    %dma_start3A_468 = arith.constant 0 : i32
    %dma_start3A_469 = arith.constant 0 : i32
    %dma_start3A_470 = tpu.memref_slice %arg6[%dma_start3A_468, %dma_start3A_469] : memref<62501x16xf32, #tpu.memory_space<hbm>> -> memref<62501x16xf32, #tpu.memory_space<hbm>>
    tpu.enqueue_indirect_dma source(%dma_start3A_470 : memref<62501x16xf32, #tpu.memory_space<hbm>>) target(%dma_start3A_465 : memref<128x16xf32, #tpu.memory_space<vmem>>) offsets(%dma_start3A_467 : memref<128xi32, #tpu.memory_space<vmem>>) semaphore(%arg20 : memref<!tpu.dma_semaphore, #tpu.memory_space<semaphore_mem>>)
    %dma_start3A_471 = arith.constant 0 : i32
    %dma_start3A_472 = arith.constant 0 : i32
    %dma_start3A_473 = tpu.memref_slice %arg17[%dma_start3A_471, %dma_start3A_472] : memref<512x16xf32, #tpu.memory_space<vmem>> -> memref<128x16xf32, #tpu.memory_space<vmem>>
    %dma_start3A_474 = arith.constant 0 : i32
    %dma_start3A_475 = tpu.memref_slice %arg13[%dma_start3A_474] : memref<512xi32, #tpu.memory_space<vmem>> -> memref<128xi32, #tpu.memory_space<vmem>>
    %dma_start3A_476 = arith.constant 0 : i32
    %dma_start3A_477 = arith.constant 0 : i32
    %dma_start3A_478 = tpu.memref_slice %arg7[%dma_start3A_476, %dma_start3A_477] : memref<62501x16xf32, #tpu.memory_space<hbm>> -> memref<62501x16xf32, #tpu.memory_space<hbm>>
    tpu.enqueue_indirect_dma source(%dma_start3A_478 : memref<62501x16xf32, #tpu.memory_space<hbm>>) target(%dma_start3A_473 : memref<128x16xf32, #tpu.memory_space<vmem>>) offsets(%dma_start3A_475 : memref<128xi32, #tpu.memory_space<vmem>>) semaphore(%arg20 : memref<!tpu.dma_semaphore, #tpu.memory_space<semaphore_mem>>)
    %dma_start3A_479 = arith.constant 128 : i32
    %dma_start3A_480 = arith.constant 0 : i32
    %dma_start3A_481 = tpu.memref_slice %arg14[%dma_start3A_479, %dma_start3A_480] : memref<512x16xf32, #tpu.memory_space<vmem>> -> memref<128x16xf32, #tpu.memory_space<vmem>>
    %dma_start3A_482 = arith.constant 128 : i32
    %dma_start3A_483 = tpu.memref_slice %arg10[%dma_start3A_482] : memref<512xi32, #tpu.memory_space<vmem>> -> memref<128xi32, #tpu.memory_space<vmem>>
    %dma_start3A_484 = arith.constant 0 : i32
    %dma_start3A_485 = arith.constant 0 : i32
    %dma_start3A_486 = tpu.memref_slice %arg4[%dma_start3A_484, %dma_start3A_485] : memref<1000001x16xf32, #tpu.memory_space<hbm>> -> memref<1000001x16xf32, #tpu.memory_space<hbm>>
    tpu.enqueue_indirect_dma source(%dma_start3A_486 : memref<1000001x16xf32, #tpu.memory_space<hbm>>) target(%dma_start3A_481 : memref<128x16xf32, #tpu.memory_space<vmem>>) offsets(%dma_start3A_483 : memref<128xi32, #tpu.memory_space<vmem>>) semaphore(%arg20 : memref<!tpu.dma_semaphore, #tpu.memory_space<semaphore_mem>>)
    %dma_start3A_487 = arith.constant 128 : i32
    %dma_start3A_488 = arith.constant 0 : i32
    %dma_start3A_489 = tpu.memref_slice %arg15[%dma_start3A_487, %dma_start3A_488] : memref<512x16xf32, #tpu.memory_space<vmem>> -> memref<128x16xf32, #tpu.memory_space<vmem>>
    %dma_start3A_490 = arith.constant 128 : i32
    %dma_start3A_491 = tpu.memref_slice %arg11[%dma_start3A_490] : memref<512xi32, #tpu.memory_space<vmem>> -> memref<128xi32, #tpu.memory_space<vmem>>
    %dma_start3A_492 = arith.constant 0 : i32
    %dma_start3A_493 = arith.constant 0 : i32
    %dma_start3A_494 = tpu.memref_slice %arg5[%dma_start3A_492, %dma_start3A_493] : memref<1000001x16xf32, #tpu.memory_space<hbm>> -> memref<1000001x16xf32, #tpu.memory_space<hbm>>
    tpu.enqueue_indirect_dma source(%dma_start3A_494 : memref<1000001x16xf32, #tpu.memory_space<hbm>>) target(%dma_start3A_489 : memref<128x16xf32, #tpu.memory_space<vmem>>) offsets(%dma_start3A_491 : memref<128xi32, #tpu.memory_space<vmem>>) semaphore(%arg20 : memref<!tpu.dma_semaphore, #tpu.memory_space<semaphore_mem>>)
    %dma_start3A_495 = arith.constant 128 : i32
    %dma_start3A_496 = arith.constant 0 : i32
    %dma_start3A_497 = tpu.memref_slice %arg16[%dma_start3A_495, %dma_start3A_496] : memref<512x16xf32, #tpu.memory_space<vmem>> -> memref<128x16xf32, #tpu.memory_space<vmem>>
    %dma_start3A_498 = arith.constant 128 : i32
    %dma_start3A_499 = tpu.memref_slice %arg12[%dma_start3A_498] : memref<512xi32, #tpu.memory_space<vmem>> -> memref<128xi32, #tpu.memory_space<vmem>>
    %dma_start3A_500 = arith.constant 0 : i32
    %dma_start3A_501 = arith.constant 0 : i32
    %dma_start3A_502 = tpu.memref_slice %arg6[%dma_start3A_500, %dma_start3A_501] : memref<62501x16xf32, #tpu.memory_space<hbm>> -> memref<62501x16xf32, #tpu.memory_space<hbm>>
    tpu.enqueue_indirect_dma source(%dma_start3A_502 : memref<62501x16xf32, #tpu.memory_space<hbm>>) target(%dma_start3A_497 : memref<128x16xf32, #tpu.memory_space<vmem>>) offsets(%dma_start3A_499 : memref<128xi32, #tpu.memory_space<vmem>>) semaphore(%arg20 : memref<!tpu.dma_semaphore, #tpu.memory_space<semaphore_mem>>)
    %dma_start3A_503 = arith.constant 128 : i32
    %dma_start3A_504 = arith.constant 0 : i32
    %dma_start3A_505 = tpu.memref_slice %arg17[%dma_start3A_503, %dma_start3A_504] : memref<512x16xf32, #tpu.memory_space<vmem>> -> memref<128x16xf32, #tpu.memory_space<vmem>>
    %dma_start3A_506 = arith.constant 128 : i32
    %dma_start3A_507 = tpu.memref_slice %arg13[%dma_start3A_506] : memref<512xi32, #tpu.memory_space<vmem>> -> memref<128xi32, #tpu.memory_space<vmem>>
    %dma_start3A_508 = arith.constant 0 : i32
    %dma_start3A_509 = arith.constant 0 : i32
    %dma_start3A_510 = tpu.memref_slice %arg7[%dma_start3A_508, %dma_start3A_509] : memref<62501x16xf32, #tpu.memory_space<hbm>> -> memref<62501x16xf32, #tpu.memory_space<hbm>>
    tpu.enqueue_indirect_dma source(%dma_start3A_510 : memref<62501x16xf32, #tpu.memory_space<hbm>>) target(%dma_start3A_505 : memref<128x16xf32, #tpu.memory_space<vmem>>) offsets(%dma_start3A_507 : memref<128xi32, #tpu.memory_space<vmem>>) semaphore(%arg20 : memref<!tpu.dma_semaphore, #tpu.memory_space<semaphore_mem>>)
    %dma_start3A_511 = arith.constant 256 : i32
    %dma_start3A_512 = arith.constant 0 : i32
    %dma_start3A_513 = tpu.memref_slice %arg14[%dma_start3A_511, %dma_start3A_512] : memref<512x16xf32, #tpu.memory_space<vmem>> -> memref<128x16xf32, #tpu.memory_space<vmem>>
    %dma_start3A_514 = arith.constant 256 : i32
    %dma_start3A_515 = tpu.memref_slice %arg10[%dma_start3A_514] : memref<512xi32, #tpu.memory_space<vmem>> -> memref<128xi32, #tpu.memory_space<vmem>>
    %dma_start3A_516 = arith.constant 0 : i32
    %dma_start3A_517 = arith.constant 0 : i32
    %dma_start3A_518 = tpu.memref_slice %arg4[%dma_start3A_516, %dma_start3A_517] : memref<1000001x16xf32, #tpu.memory_space<hbm>> -> memref<1000001x16xf32, #tpu.memory_space<hbm>>
    tpu.enqueue_indirect_dma source(%dma_start3A_518 : memref<1000001x16xf32, #tpu.memory_space<hbm>>) target(%dma_start3A_513 : memref<128x16xf32, #tpu.memory_space<vmem>>) offsets(%dma_start3A_515 : memref<128xi32, #tpu.memory_space<vmem>>) semaphore(%arg20 : memref<!tpu.dma_semaphore, #tpu.memory_space<semaphore_mem>>)
    %dma_start3A_519 = arith.constant 256 : i32
    %dma_start3A_520 = arith.constant 0 : i32
    %dma_start3A_521 = tpu.memref_slice %arg15[%dma_start3A_519, %dma_start3A_520] : memref<512x16xf32, #tpu.memory_space<vmem>> -> memref<128x16xf32, #tpu.memory_space<vmem>>
    %dma_start3A_522 = arith.constant 256 : i32
    %dma_start3A_523 = tpu.memref_slice %arg11[%dma_start3A_522] : memref<512xi32, #tpu.memory_space<vmem>> -> memref<128xi32, #tpu.memory_space<vmem>>
    %dma_start3A_524 = arith.constant 0 : i32
    %dma_start3A_525 = arith.constant 0 : i32
    %dma_start3A_526 = tpu.memref_slice %arg5[%dma_start3A_524, %dma_start3A_525] : memref<1000001x16xf32, #tpu.memory_space<hbm>> -> memref<1000001x16xf32, #tpu.memory_space<hbm>>
    tpu.enqueue_indirect_dma source(%dma_start3A_526 : memref<1000001x16xf32, #tpu.memory_space<hbm>>) target(%dma_start3A_521 : memref<128x16xf32, #tpu.memory_space<vmem>>) offsets(%dma_start3A_523 : memref<128xi32, #tpu.memory_space<vmem>>) semaphore(%arg20 : memref<!tpu.dma_semaphore, #tpu.memory_space<semaphore_mem>>)
    %dma_start3A_527 = arith.constant 256 : i32
    %dma_start3A_528 = arith.constant 0 : i32
    %dma_start3A_529 = tpu.memref_slice %arg16[%dma_start3A_527, %dma_start3A_528] : memref<512x16xf32, #tpu.memory_space<vmem>> -> memref<128x16xf32, #tpu.memory_space<vmem>>
    %dma_start3A_530 = arith.constant 256 : i32
    %dma_start3A_531 = tpu.memref_slice %arg12[%dma_start3A_530] : memref<512xi32, #tpu.memory_space<vmem>> -> memref<128xi32, #tpu.memory_space<vmem>>
    %dma_start3A_532 = arith.constant 0 : i32
    %dma_start3A_533 = arith.constant 0 : i32
    %dma_start3A_534 = tpu.memref_slice %arg6[%dma_start3A_532, %dma_start3A_533] : memref<62501x16xf32, #tpu.memory_space<hbm>> -> memref<62501x16xf32, #tpu.memory_space<hbm>>
    tpu.enqueue_indirect_dma source(%dma_start3A_534 : memref<62501x16xf32, #tpu.memory_space<hbm>>) target(%dma_start3A_529 : memref<128x16xf32, #tpu.memory_space<vmem>>) offsets(%dma_start3A_531 : memref<128xi32, #tpu.memory_space<vmem>>) semaphore(%arg20 : memref<!tpu.dma_semaphore, #tpu.memory_space<semaphore_mem>>)
    %dma_start3A_535 = arith.constant 256 : i32
    %dma_start3A_536 = arith.constant 0 : i32
    %dma_start3A_537 = tpu.memref_slice %arg17[%dma_start3A_535, %dma_start3A_536] : memref<512x16xf32, #tpu.memory_space<vmem>> -> memref<128x16xf32, #tpu.memory_space<vmem>>
    %dma_start3A_538 = arith.constant 256 : i32
    %dma_start3A_539 = tpu.memref_slice %arg13[%dma_start3A_538] : memref<512xi32, #tpu.memory_space<vmem>> -> memref<128xi32, #tpu.memory_space<vmem>>
    %dma_start3A_540 = arith.constant 0 : i32
    %dma_start3A_541 = arith.constant 0 : i32
    %dma_start3A_542 = tpu.memref_slice %arg7[%dma_start3A_540, %dma_start3A_541] : memref<62501x16xf32, #tpu.memory_space<hbm>> -> memref<62501x16xf32, #tpu.memory_space<hbm>>
    tpu.enqueue_indirect_dma source(%dma_start3A_542 : memref<62501x16xf32, #tpu.memory_space<hbm>>) target(%dma_start3A_537 : memref<128x16xf32, #tpu.memory_space<vmem>>) offsets(%dma_start3A_539 : memref<128xi32, #tpu.memory_space<vmem>>) semaphore(%arg20 : memref<!tpu.dma_semaphore, #tpu.memory_space<semaphore_mem>>)
    %dma_start3A_543 = arith.constant 384 : i32
    %dma_start3A_544 = arith.constant 0 : i32
    %dma_start3A_545 = tpu.memref_slice %arg14[%dma_start3A_543, %dma_start3A_544] : memref<512x16xf32, #tpu.memory_space<vmem>> -> memref<128x16xf32, #tpu.memory_space<vmem>>
    %dma_start3A_546 = arith.constant 384 : i32
    %dma_start3A_547 = tpu.memref_slice %arg10[%dma_start3A_546] : memref<512xi32, #tpu.memory_space<vmem>> -> memref<128xi32, #tpu.memory_space<vmem>>
    %dma_start3A_548 = arith.constant 0 : i32
    %dma_start3A_549 = arith.constant 0 : i32
    %dma_start3A_550 = tpu.memref_slice %arg4[%dma_start3A_548, %dma_start3A_549] : memref<1000001x16xf32, #tpu.memory_space<hbm>> -> memref<1000001x16xf32, #tpu.memory_space<hbm>>
    tpu.enqueue_indirect_dma source(%dma_start3A_550 : memref<1000001x16xf32, #tpu.memory_space<hbm>>) target(%dma_start3A_545 : memref<128x16xf32, #tpu.memory_space<vmem>>) offsets(%dma_start3A_547 : memref<128xi32, #tpu.memory_space<vmem>>) semaphore(%arg20 : memref<!tpu.dma_semaphore, #tpu.memory_space<semaphore_mem>>)
    %dma_start3A_551 = arith.constant 384 : i32
    %dma_start3A_552 = arith.constant 0 : i32
    %dma_start3A_553 = tpu.memref_slice %arg15[%dma_start3A_551, %dma_start3A_552] : memref<512x16xf32, #tpu.memory_space<vmem>> -> memref<128x16xf32, #tpu.memory_space<vmem>>
    %dma_start3A_554 = arith.constant 384 : i32
    %dma_start3A_555 = tpu.memref_slice %arg11[%dma_start3A_554] : memref<512xi32, #tpu.memory_space<vmem>> -> memref<128xi32, #tpu.memory_space<vmem>>
    %dma_start3A_556 = arith.constant 0 : i32
    %dma_start3A_557 = arith.constant 0 : i32
    %dma_start3A_558 = tpu.memref_slice %arg5[%dma_start3A_556, %dma_start3A_557] : memref<1000001x16xf32, #tpu.memory_space<hbm>> -> memref<1000001x16xf32, #tpu.memory_space<hbm>>
    tpu.enqueue_indirect_dma source(%dma_start3A_558 : memref<1000001x16xf32, #tpu.memory_space<hbm>>) target(%dma_start3A_553 : memref<128x16xf32, #tpu.memory_space<vmem>>) offsets(%dma_start3A_555 : memref<128xi32, #tpu.memory_space<vmem>>) semaphore(%arg20 : memref<!tpu.dma_semaphore, #tpu.memory_space<semaphore_mem>>)
    %dma_start3A_559 = arith.constant 384 : i32
    %dma_start3A_560 = arith.constant 0 : i32
    %dma_start3A_561 = tpu.memref_slice %arg16[%dma_start3A_559, %dma_start3A_560] : memref<512x16xf32, #tpu.memory_space<vmem>> -> memref<128x16xf32, #tpu.memory_space<vmem>>
    %dma_start3A_562 = arith.constant 384 : i32
    %dma_start3A_563 = tpu.memref_slice %arg12[%dma_start3A_562] : memref<512xi32, #tpu.memory_space<vmem>> -> memref<128xi32, #tpu.memory_space<vmem>>
    %dma_start3A_564 = arith.constant 0 : i32
    %dma_start3A_565 = arith.constant 0 : i32
    %dma_start3A_566 = tpu.memref_slice %arg6[%dma_start3A_564, %dma_start3A_565] : memref<62501x16xf32, #tpu.memory_space<hbm>> -> memref<62501x16xf32, #tpu.memory_space<hbm>>
    tpu.enqueue_indirect_dma source(%dma_start3A_566 : memref<62501x16xf32, #tpu.memory_space<hbm>>) target(%dma_start3A_561 : memref<128x16xf32, #tpu.memory_space<vmem>>) offsets(%dma_start3A_563 : memref<128xi32, #tpu.memory_space<vmem>>) semaphore(%arg20 : memref<!tpu.dma_semaphore, #tpu.memory_space<semaphore_mem>>)
    %dma_start3A_567 = arith.constant 384 : i32
    %dma_start3A_568 = arith.constant 0 : i32
    %dma_start3A_569 = tpu.memref_slice %arg17[%dma_start3A_567, %dma_start3A_568] : memref<512x16xf32, #tpu.memory_space<vmem>> -> memref<128x16xf32, #tpu.memory_space<vmem>>
    %dma_start3A_570 = arith.constant 384 : i32
    %dma_start3A_571 = tpu.memref_slice %arg13[%dma_start3A_570] : memref<512xi32, #tpu.memory_space<vmem>> -> memref<128xi32, #tpu.memory_space<vmem>>
    %dma_start3A_572 = arith.constant 0 : i32
    %dma_start3A_573 = arith.constant 0 : i32
    %dma_start3A_574 = tpu.memref_slice %arg7[%dma_start3A_572, %dma_start3A_573] : memref<62501x16xf32, #tpu.memory_space<hbm>> -> memref<62501x16xf32, #tpu.memory_space<hbm>>
    tpu.enqueue_indirect_dma source(%dma_start3A_574 : memref<62501x16xf32, #tpu.memory_space<hbm>>) target(%dma_start3A_569 : memref<128x16xf32, #tpu.memory_space<vmem>>) offsets(%dma_start3A_571 : memref<128xi32, #tpu.memory_space<vmem>>) semaphore(%arg20 : memref<!tpu.dma_semaphore, #tpu.memory_space<semaphore_mem>>)
    %dma_wait3A = arith.constant 0 : i32
    %dma_wait3A_575 = arith.constant 0 : i32
    %dma_wait3A_576 = tpu.memref_slice %arg14[%dma_wait3A, %dma_wait3A_575] : memref<512x16xf32, #tpu.memory_space<vmem>> -> memref<128x16xf32, #tpu.memory_space<vmem>>
    %dma_wait3A_577 = arith.constant 0 : i32
    %dma_wait3A_578 = tpu.memref_slice %arg10[%dma_wait3A_577] : memref<512xi32, #tpu.memory_space<vmem>> -> memref<128xi32, #tpu.memory_space<vmem>>
    %dma_wait3A_579 = arith.constant 0 : i32
    %dma_wait3A_580 = arith.constant 0 : i32
    %dma_wait3A_581 = tpu.memref_slice %arg4[%dma_wait3A_579, %dma_wait3A_580] : memref<1000001x16xf32, #tpu.memory_space<hbm>> -> memref<1000001x16xf32, #tpu.memory_space<hbm>>
    tpu.wait_indirect_dma semaphore(%arg20 : memref<!tpu.dma_semaphore, #tpu.memory_space<semaphore_mem>>) src(%dma_wait3A_581 : memref<1000001x16xf32, #tpu.memory_space<hbm>>) dst(%dma_wait3A_576 : memref<128x16xf32, #tpu.memory_space<vmem>>)
    %dma_wait3A_582 = arith.constant 0 : i32
    %dma_wait3A_583 = arith.constant 0 : i32
    %dma_wait3A_584 = tpu.memref_slice %arg15[%dma_wait3A_582, %dma_wait3A_583] : memref<512x16xf32, #tpu.memory_space<vmem>> -> memref<128x16xf32, #tpu.memory_space<vmem>>
    %dma_wait3A_585 = arith.constant 0 : i32
    %dma_wait3A_586 = tpu.memref_slice %arg11[%dma_wait3A_585] : memref<512xi32, #tpu.memory_space<vmem>> -> memref<128xi32, #tpu.memory_space<vmem>>
    %dma_wait3A_587 = arith.constant 0 : i32
    %dma_wait3A_588 = arith.constant 0 : i32
    %dma_wait3A_589 = tpu.memref_slice %arg5[%dma_wait3A_587, %dma_wait3A_588] : memref<1000001x16xf32, #tpu.memory_space<hbm>> -> memref<1000001x16xf32, #tpu.memory_space<hbm>>
    tpu.wait_indirect_dma semaphore(%arg20 : memref<!tpu.dma_semaphore, #tpu.memory_space<semaphore_mem>>) src(%dma_wait3A_589 : memref<1000001x16xf32, #tpu.memory_space<hbm>>) dst(%dma_wait3A_584 : memref<128x16xf32, #tpu.memory_space<vmem>>)
    %dma_wait3A_590 = arith.constant 0 : i32
    %dma_wait3A_591 = arith.constant 0 : i32
    %dma_wait3A_592 = tpu.memref_slice %arg16[%dma_wait3A_590, %dma_wait3A_591] : memref<512x16xf32, #tpu.memory_space<vmem>> -> memref<128x16xf32, #tpu.memory_space<vmem>>
    %dma_wait3A_593 = arith.constant 0 : i32
    %dma_wait3A_594 = tpu.memref_slice %arg12[%dma_wait3A_593] : memref<512xi32, #tpu.memory_space<vmem>> -> memref<128xi32, #tpu.memory_space<vmem>>
    %dma_wait3A_595 = arith.constant 0 : i32
    %dma_wait3A_596 = arith.constant 0 : i32
    %dma_wait3A_597 = tpu.memref_slice %arg6[%dma_wait3A_595, %dma_wait3A_596] : memref<62501x16xf32, #tpu.memory_space<hbm>> -> memref<62501x16xf32, #tpu.memory_space<hbm>>
    tpu.wait_indirect_dma semaphore(%arg20 : memref<!tpu.dma_semaphore, #tpu.memory_space<semaphore_mem>>) src(%dma_wait3A_597 : memref<62501x16xf32, #tpu.memory_space<hbm>>) dst(%dma_wait3A_592 : memref<128x16xf32, #tpu.memory_space<vmem>>)
    %dma_wait3A_598 = arith.constant 0 : i32
    %dma_wait3A_599 = arith.constant 0 : i32
    %dma_wait3A_600 = tpu.memref_slice %arg17[%dma_wait3A_598, %dma_wait3A_599] : memref<512x16xf32, #tpu.memory_space<vmem>> -> memref<128x16xf32, #tpu.memory_space<vmem>>
    %dma_wait3A_601 = arith.constant 0 : i32
    %dma_wait3A_602 = tpu.memref_slice %arg13[%dma_wait3A_601] : memref<512xi32, #tpu.memory_space<vmem>> -> memref<128xi32, #tpu.memory_space<vmem>>
    %dma_wait3A_603 = arith.constant 0 : i32
    %dma_wait3A_604 = arith.constant 0 : i32
    %dma_wait3A_605 = tpu.memref_slice %arg7[%dma_wait3A_603, %dma_wait3A_604] : memref<62501x16xf32, #tpu.memory_space<hbm>> -> memref<62501x16xf32, #tpu.memory_space<hbm>>
    tpu.wait_indirect_dma semaphore(%arg20 : memref<!tpu.dma_semaphore, #tpu.memory_space<semaphore_mem>>) src(%dma_wait3A_605 : memref<62501x16xf32, #tpu.memory_space<hbm>>) dst(%dma_wait3A_600 : memref<128x16xf32, #tpu.memory_space<vmem>>)
    %dma_wait3A_606 = arith.constant 128 : i32
    %dma_wait3A_607 = arith.constant 0 : i32
    %dma_wait3A_608 = tpu.memref_slice %arg14[%dma_wait3A_606, %dma_wait3A_607] : memref<512x16xf32, #tpu.memory_space<vmem>> -> memref<128x16xf32, #tpu.memory_space<vmem>>
    %dma_wait3A_609 = arith.constant 128 : i32
    %dma_wait3A_610 = tpu.memref_slice %arg10[%dma_wait3A_609] : memref<512xi32, #tpu.memory_space<vmem>> -> memref<128xi32, #tpu.memory_space<vmem>>
    %dma_wait3A_611 = arith.constant 0 : i32
    %dma_wait3A_612 = arith.constant 0 : i32
    %dma_wait3A_613 = tpu.memref_slice %arg4[%dma_wait3A_611, %dma_wait3A_612] : memref<1000001x16xf32, #tpu.memory_space<hbm>> -> memref<1000001x16xf32, #tpu.memory_space<hbm>>
    tpu.wait_indirect_dma semaphore(%arg20 : memref<!tpu.dma_semaphore, #tpu.memory_space<semaphore_mem>>) src(%dma_wait3A_613 : memref<1000001x16xf32, #tpu.memory_space<hbm>>) dst(%dma_wait3A_608 : memref<128x16xf32, #tpu.memory_space<vmem>>)
    %dma_wait3A_614 = arith.constant 128 : i32
    %dma_wait3A_615 = arith.constant 0 : i32
    %dma_wait3A_616 = tpu.memref_slice %arg15[%dma_wait3A_614, %dma_wait3A_615] : memref<512x16xf32, #tpu.memory_space<vmem>> -> memref<128x16xf32, #tpu.memory_space<vmem>>
    %dma_wait3A_617 = arith.constant 128 : i32
    %dma_wait3A_618 = tpu.memref_slice %arg11[%dma_wait3A_617] : memref<512xi32, #tpu.memory_space<vmem>> -> memref<128xi32, #tpu.memory_space<vmem>>
    %dma_wait3A_619 = arith.constant 0 : i32
    %dma_wait3A_620 = arith.constant 0 : i32
    %dma_wait3A_621 = tpu.memref_slice %arg5[%dma_wait3A_619, %dma_wait3A_620] : memref<1000001x16xf32, #tpu.memory_space<hbm>> -> memref<1000001x16xf32, #tpu.memory_space<hbm>>
    tpu.wait_indirect_dma semaphore(%arg20 : memref<!tpu.dma_semaphore, #tpu.memory_space<semaphore_mem>>) src(%dma_wait3A_621 : memref<1000001x16xf32, #tpu.memory_space<hbm>>) dst(%dma_wait3A_616 : memref<128x16xf32, #tpu.memory_space<vmem>>)
    %dma_wait3A_622 = arith.constant 128 : i32
    %dma_wait3A_623 = arith.constant 0 : i32
    %dma_wait3A_624 = tpu.memref_slice %arg16[%dma_wait3A_622, %dma_wait3A_623] : memref<512x16xf32, #tpu.memory_space<vmem>> -> memref<128x16xf32, #tpu.memory_space<vmem>>
    %dma_wait3A_625 = arith.constant 128 : i32
    %dma_wait3A_626 = tpu.memref_slice %arg12[%dma_wait3A_625] : memref<512xi32, #tpu.memory_space<vmem>> -> memref<128xi32, #tpu.memory_space<vmem>>
    %dma_wait3A_627 = arith.constant 0 : i32
    %dma_wait3A_628 = arith.constant 0 : i32
    %dma_wait3A_629 = tpu.memref_slice %arg6[%dma_wait3A_627, %dma_wait3A_628] : memref<62501x16xf32, #tpu.memory_space<hbm>> -> memref<62501x16xf32, #tpu.memory_space<hbm>>
    tpu.wait_indirect_dma semaphore(%arg20 : memref<!tpu.dma_semaphore, #tpu.memory_space<semaphore_mem>>) src(%dma_wait3A_629 : memref<62501x16xf32, #tpu.memory_space<hbm>>) dst(%dma_wait3A_624 : memref<128x16xf32, #tpu.memory_space<vmem>>)
    %dma_wait3A_630 = arith.constant 128 : i32
    %dma_wait3A_631 = arith.constant 0 : i32
    %dma_wait3A_632 = tpu.memref_slice %arg17[%dma_wait3A_630, %dma_wait3A_631] : memref<512x16xf32, #tpu.memory_space<vmem>> -> memref<128x16xf32, #tpu.memory_space<vmem>>
    %dma_wait3A_633 = arith.constant 128 : i32
    %dma_wait3A_634 = tpu.memref_slice %arg13[%dma_wait3A_633] : memref<512xi32, #tpu.memory_space<vmem>> -> memref<128xi32, #tpu.memory_space<vmem>>
    %dma_wait3A_635 = arith.constant 0 : i32
    %dma_wait3A_636 = arith.constant 0 : i32
    %dma_wait3A_637 = tpu.memref_slice %arg7[%dma_wait3A_635, %dma_wait3A_636] : memref<62501x16xf32, #tpu.memory_space<hbm>> -> memref<62501x16xf32, #tpu.memory_space<hbm>>
    tpu.wait_indirect_dma semaphore(%arg20 : memref<!tpu.dma_semaphore, #tpu.memory_space<semaphore_mem>>) src(%dma_wait3A_637 : memref<62501x16xf32, #tpu.memory_space<hbm>>) dst(%dma_wait3A_632 : memref<128x16xf32, #tpu.memory_space<vmem>>)
    %dma_wait3A_638 = arith.constant 256 : i32
    %dma_wait3A_639 = arith.constant 0 : i32
    %dma_wait3A_640 = tpu.memref_slice %arg14[%dma_wait3A_638, %dma_wait3A_639] : memref<512x16xf32, #tpu.memory_space<vmem>> -> memref<128x16xf32, #tpu.memory_space<vmem>>
    %dma_wait3A_641 = arith.constant 256 : i32
    %dma_wait3A_642 = tpu.memref_slice %arg10[%dma_wait3A_641] : memref<512xi32, #tpu.memory_space<vmem>> -> memref<128xi32, #tpu.memory_space<vmem>>
    %dma_wait3A_643 = arith.constant 0 : i32
    %dma_wait3A_644 = arith.constant 0 : i32
    %dma_wait3A_645 = tpu.memref_slice %arg4[%dma_wait3A_643, %dma_wait3A_644] : memref<1000001x16xf32, #tpu.memory_space<hbm>> -> memref<1000001x16xf32, #tpu.memory_space<hbm>>
    tpu.wait_indirect_dma semaphore(%arg20 : memref<!tpu.dma_semaphore, #tpu.memory_space<semaphore_mem>>) src(%dma_wait3A_645 : memref<1000001x16xf32, #tpu.memory_space<hbm>>) dst(%dma_wait3A_640 : memref<128x16xf32, #tpu.memory_space<vmem>>)
    %dma_wait3A_646 = arith.constant 256 : i32
    %dma_wait3A_647 = arith.constant 0 : i32
    %dma_wait3A_648 = tpu.memref_slice %arg15[%dma_wait3A_646, %dma_wait3A_647] : memref<512x16xf32, #tpu.memory_space<vmem>> -> memref<128x16xf32, #tpu.memory_space<vmem>>
    %dma_wait3A_649 = arith.constant 256 : i32
    %dma_wait3A_650 = tpu.memref_slice %arg11[%dma_wait3A_649] : memref<512xi32, #tpu.memory_space<vmem>> -> memref<128xi32, #tpu.memory_space<vmem>>
    %dma_wait3A_651 = arith.constant 0 : i32
    %dma_wait3A_652 = arith.constant 0 : i32
    %dma_wait3A_653 = tpu.memref_slice %arg5[%dma_wait3A_651, %dma_wait3A_652] : memref<1000001x16xf32, #tpu.memory_space<hbm>> -> memref<1000001x16xf32, #tpu.memory_space<hbm>>
    tpu.wait_indirect_dma semaphore(%arg20 : memref<!tpu.dma_semaphore, #tpu.memory_space<semaphore_mem>>) src(%dma_wait3A_653 : memref<1000001x16xf32, #tpu.memory_space<hbm>>) dst(%dma_wait3A_648 : memref<128x16xf32, #tpu.memory_space<vmem>>)
    %dma_wait3A_654 = arith.constant 256 : i32
    %dma_wait3A_655 = arith.constant 0 : i32
    %dma_wait3A_656 = tpu.memref_slice %arg16[%dma_wait3A_654, %dma_wait3A_655] : memref<512x16xf32, #tpu.memory_space<vmem>> -> memref<128x16xf32, #tpu.memory_space<vmem>>
    %dma_wait3A_657 = arith.constant 256 : i32
    %dma_wait3A_658 = tpu.memref_slice %arg12[%dma_wait3A_657] : memref<512xi32, #tpu.memory_space<vmem>> -> memref<128xi32, #tpu.memory_space<vmem>>
    %dma_wait3A_659 = arith.constant 0 : i32
    %dma_wait3A_660 = arith.constant 0 : i32
    %dma_wait3A_661 = tpu.memref_slice %arg6[%dma_wait3A_659, %dma_wait3A_660] : memref<62501x16xf32, #tpu.memory_space<hbm>> -> memref<62501x16xf32, #tpu.memory_space<hbm>>
    tpu.wait_indirect_dma semaphore(%arg20 : memref<!tpu.dma_semaphore, #tpu.memory_space<semaphore_mem>>) src(%dma_wait3A_661 : memref<62501x16xf32, #tpu.memory_space<hbm>>) dst(%dma_wait3A_656 : memref<128x16xf32, #tpu.memory_space<vmem>>)
    %dma_wait3A_662 = arith.constant 256 : i32
    %dma_wait3A_663 = arith.constant 0 : i32
    %dma_wait3A_664 = tpu.memref_slice %arg17[%dma_wait3A_662, %dma_wait3A_663] : memref<512x16xf32, #tpu.memory_space<vmem>> -> memref<128x16xf32, #tpu.memory_space<vmem>>
    %dma_wait3A_665 = arith.constant 256 : i32
    %dma_wait3A_666 = tpu.memref_slice %arg13[%dma_wait3A_665] : memref<512xi32, #tpu.memory_space<vmem>> -> memref<128xi32, #tpu.memory_space<vmem>>
    %dma_wait3A_667 = arith.constant 0 : i32
    %dma_wait3A_668 = arith.constant 0 : i32
    %dma_wait3A_669 = tpu.memref_slice %arg7[%dma_wait3A_667, %dma_wait3A_668] : memref<62501x16xf32, #tpu.memory_space<hbm>> -> memref<62501x16xf32, #tpu.memory_space<hbm>>
    tpu.wait_indirect_dma semaphore(%arg20 : memref<!tpu.dma_semaphore, #tpu.memory_space<semaphore_mem>>) src(%dma_wait3A_669 : memref<62501x16xf32, #tpu.memory_space<hbm>>) dst(%dma_wait3A_664 : memref<128x16xf32, #tpu.memory_space<vmem>>)
    %dma_wait3A_670 = arith.constant 384 : i32
    %dma_wait3A_671 = arith.constant 0 : i32
    %dma_wait3A_672 = tpu.memref_slice %arg14[%dma_wait3A_670, %dma_wait3A_671] : memref<512x16xf32, #tpu.memory_space<vmem>> -> memref<128x16xf32, #tpu.memory_space<vmem>>
    %dma_wait3A_673 = arith.constant 384 : i32
    %dma_wait3A_674 = tpu.memref_slice %arg10[%dma_wait3A_673] : memref<512xi32, #tpu.memory_space<vmem>> -> memref<128xi32, #tpu.memory_space<vmem>>
    %dma_wait3A_675 = arith.constant 0 : i32
    %dma_wait3A_676 = arith.constant 0 : i32
    %dma_wait3A_677 = tpu.memref_slice %arg4[%dma_wait3A_675, %dma_wait3A_676] : memref<1000001x16xf32, #tpu.memory_space<hbm>> -> memref<1000001x16xf32, #tpu.memory_space<hbm>>
    tpu.wait_indirect_dma semaphore(%arg20 : memref<!tpu.dma_semaphore, #tpu.memory_space<semaphore_mem>>) src(%dma_wait3A_677 : memref<1000001x16xf32, #tpu.memory_space<hbm>>) dst(%dma_wait3A_672 : memref<128x16xf32, #tpu.memory_space<vmem>>)
    %dma_wait3A_678 = arith.constant 384 : i32
    %dma_wait3A_679 = arith.constant 0 : i32
    %dma_wait3A_680 = tpu.memref_slice %arg15[%dma_wait3A_678, %dma_wait3A_679] : memref<512x16xf32, #tpu.memory_space<vmem>> -> memref<128x16xf32, #tpu.memory_space<vmem>>
    %dma_wait3A_681 = arith.constant 384 : i32
    %dma_wait3A_682 = tpu.memref_slice %arg11[%dma_wait3A_681] : memref<512xi32, #tpu.memory_space<vmem>> -> memref<128xi32, #tpu.memory_space<vmem>>
    %dma_wait3A_683 = arith.constant 0 : i32
    %dma_wait3A_684 = arith.constant 0 : i32
    %dma_wait3A_685 = tpu.memref_slice %arg5[%dma_wait3A_683, %dma_wait3A_684] : memref<1000001x16xf32, #tpu.memory_space<hbm>> -> memref<1000001x16xf32, #tpu.memory_space<hbm>>
    tpu.wait_indirect_dma semaphore(%arg20 : memref<!tpu.dma_semaphore, #tpu.memory_space<semaphore_mem>>) src(%dma_wait3A_685 : memref<1000001x16xf32, #tpu.memory_space<hbm>>) dst(%dma_wait3A_680 : memref<128x16xf32, #tpu.memory_space<vmem>>)
    %dma_wait3A_686 = arith.constant 384 : i32
    %dma_wait3A_687 = arith.constant 0 : i32
    %dma_wait3A_688 = tpu.memref_slice %arg16[%dma_wait3A_686, %dma_wait3A_687] : memref<512x16xf32, #tpu.memory_space<vmem>> -> memref<128x16xf32, #tpu.memory_space<vmem>>
    %dma_wait3A_689 = arith.constant 384 : i32
    %dma_wait3A_690 = tpu.memref_slice %arg12[%dma_wait3A_689] : memref<512xi32, #tpu.memory_space<vmem>> -> memref<128xi32, #tpu.memory_space<vmem>>
    %dma_wait3A_691 = arith.constant 0 : i32
    %dma_wait3A_692 = arith.constant 0 : i32
    %dma_wait3A_693 = tpu.memref_slice %arg6[%dma_wait3A_691, %dma_wait3A_692] : memref<62501x16xf32, #tpu.memory_space<hbm>> -> memref<62501x16xf32, #tpu.memory_space<hbm>>
    tpu.wait_indirect_dma semaphore(%arg20 : memref<!tpu.dma_semaphore, #tpu.memory_space<semaphore_mem>>) src(%dma_wait3A_693 : memref<62501x16xf32, #tpu.memory_space<hbm>>) dst(%dma_wait3A_688 : memref<128x16xf32, #tpu.memory_space<vmem>>)
    %dma_wait3A_694 = arith.constant 384 : i32
    %dma_wait3A_695 = arith.constant 0 : i32
    %dma_wait3A_696 = tpu.memref_slice %arg17[%dma_wait3A_694, %dma_wait3A_695] : memref<512x16xf32, #tpu.memory_space<vmem>> -> memref<128x16xf32, #tpu.memory_space<vmem>>
    %dma_wait3A_697 = arith.constant 384 : i32
    %dma_wait3A_698 = tpu.memref_slice %arg13[%dma_wait3A_697] : memref<512xi32, #tpu.memory_space<vmem>> -> memref<128xi32, #tpu.memory_space<vmem>>
    %dma_wait3A_699 = arith.constant 0 : i32
    %dma_wait3A_700 = arith.constant 0 : i32
    %dma_wait3A_701 = tpu.memref_slice %arg7[%dma_wait3A_699, %dma_wait3A_700] : memref<62501x16xf32, #tpu.memory_space<hbm>> -> memref<62501x16xf32, #tpu.memory_space<hbm>>
    tpu.wait_indirect_dma semaphore(%arg20 : memref<!tpu.dma_semaphore, #tpu.memory_space<semaphore_mem>>) src(%dma_wait3A_701 : memref<62501x16xf32, #tpu.memory_space<hbm>>) dst(%dma_wait3A_696 : memref<128x16xf32, #tpu.memory_space<vmem>>)
    %get3A_702 = arith.constant 0 : index
    %get3A_703 = tpu.vector_load %arg18[%get3A_702] {strides = array<i32>} : memref<32xf32, #tpu.memory_space<vmem>>, vector<16xf32>,
    %get3A_704 = arith.constant 16 : index
    %get3A_705 = tpu.vector_load %arg18[%get3A_704] {strides = array<i32>} : memref<32xf32, #tpu.memory_space<vmem>>, vector<16xf32>,
    %slice3A = vector.extract_strided_slice %get3A_703 {offsets = [0], sizes = [1], strides = [1]} : vector<16xf32> to vector<1xf32>
    %squeeze3A = vector.extract %slice3A[0] : f32 from vector<1xf32>
    %slice3A_706 = vector.extract_strided_slice %get3A_703 {offsets = [1], sizes = [1], strides = [1]} : vector<16xf32> to vector<1xf32>
    %squeeze3A_707 = vector.extract %slice3A_706[0] : f32 from vector<1xf32>
    %slice3A_708 = vector.extract_strided_slice %get3A_703 {offsets = [2], sizes = [1], strides = [1]} : vector<16xf32> to vector<1xf32>
    %squeeze3A_709 = vector.extract %slice3A_708[0] : f32 from vector<1xf32>
    %slice3A_710 = vector.extract_strided_slice %get3A_703 {offsets = [3], sizes = [1], strides = [1]} : vector<16xf32> to vector<1xf32>
    %squeeze3A_711 = vector.extract %slice3A_710[0] : f32 from vector<1xf32>
    %slice3A_712 = vector.extract_strided_slice %get3A_703 {offsets = [4], sizes = [1], strides = [1]} : vector<16xf32> to vector<1xf32>
    %squeeze3A_713 = vector.extract %slice3A_712[0] : f32 from vector<1xf32>
    %slice3A_714 = vector.extract_strided_slice %get3A_703 {offsets = [5], sizes = [1], strides = [1]} : vector<16xf32> to vector<1xf32>
    %squeeze3A_715 = vector.extract %slice3A_714[0] : f32 from vector<1xf32>
    %slice3A_716 = vector.extract_strided_slice %get3A_703 {offsets = [6], sizes = [1], strides = [1]} : vector<16xf32> to vector<1xf32>
    %squeeze3A_717 = vector.extract %slice3A_716[0] : f32 from vector<1xf32>
    %slice3A_718 = vector.extract_strided_slice %get3A_703 {offsets = [7], sizes = [1], strides = [1]} : vector<16xf32> to vector<1xf32>
    %squeeze3A_719 = vector.extract %slice3A_718[0] : f32 from vector<1xf32>
    %slice3A_720 = vector.extract_strided_slice %get3A_703 {offsets = [8], sizes = [1], strides = [1]} : vector<16xf32> to vector<1xf32>
    %squeeze3A_721 = vector.extract %slice3A_720[0] : f32 from vector<1xf32>
    %slice3A_722 = vector.extract_strided_slice %get3A_703 {offsets = [9], sizes = [1], strides = [1]} : vector<16xf32> to vector<1xf32>
    %squeeze3A_723 = vector.extract %slice3A_722[0] : f32 from vector<1xf32>
    %slice3A_724 = vector.extract_strided_slice %get3A_703 {offsets = [10], sizes = [1], strides = [1]} : vector<16xf32> to vector<1xf32>
    %squeeze3A_725 = vector.extract %slice3A_724[0] : f32 from vector<1xf32>
    %slice3A_726 = vector.extract_strided_slice %get3A_703 {offsets = [11], sizes = [1], strides = [1]} : vector<16xf32> to vector<1xf32>
    %squeeze3A_727 = vector.extract %slice3A_726[0] : f32 from vector<1xf32>
    %slice3A_728 = vector.extract_strided_slice %get3A_703 {offsets = [12], sizes = [1], strides = [1]} : vector<16xf32> to vector<1xf32>
    %squeeze3A_729 = vector.extract %slice3A_728[0] : f32 from vector<1xf32>
    %slice3A_730 = vector.extract_strided_slice %get3A_703 {offsets = [13], sizes = [1], strides = [1]} : vector<16xf32> to vector<1xf32>
    %squeeze3A_731 = vector.extract %slice3A_730[0] : f32 from vector<1xf32>
    %slice3A_732 = vector.extract_strided_slice %get3A_703 {offsets = [14], sizes = [1], strides = [1]} : vector<16xf32> to vector<1xf32>
    %squeeze3A_733 = vector.extract %slice3A_732[0] : f32 from vector<1xf32>
    %slice3A_734 = vector.extract_strided_slice %get3A_703 {offsets = [15], sizes = [1], strides = [1]} : vector<16xf32> to vector<1xf32>
    %squeeze3A_735 = vector.extract %slice3A_734[0] : f32 from vector<1xf32>
    %iota3A = tpu.iota {dimensions = array<i32: 0>} : vector<16xi32>
    %broadcast_in_dim3A = arith.constant 0 : i32
    %broadcast_in_dim3A_736 = vector.broadcast %broadcast_in_dim3A : i32 to vector<16xi32>
    %broadcast_in_dim3A_737 = arith.constant 1 : i32
    %broadcast_in_dim3A_738 = vector.broadcast %broadcast_in_dim3A_737 : i32 to vector<16xi32>
    %broadcast_in_dim3A_739 = arith.constant 2 : i32
    %broadcast_in_dim3A_740 = vector.broadcast %broadcast_in_dim3A_739 : i32 to vector<16xi32>
    %broadcast_in_dim3A_741 = arith.constant 3 : i32
    %broadcast_in_dim3A_742 = vector.broadcast %broadcast_in_dim3A_741 : i32 to vector<16xi32>
    %broadcast_in_dim3A_743 = arith.constant 4 : i32
    %broadcast_in_dim3A_744 = vector.broadcast %broadcast_in_dim3A_743 : i32 to vector<16xi32>
    %broadcast_in_dim3A_745 = arith.constant 5 : i32
    %broadcast_in_dim3A_746 = vector.broadcast %broadcast_in_dim3A_745 : i32 to vector<16xi32>
    %broadcast_in_dim3A_747 = arith.constant 6 : i32
    %broadcast_in_dim3A_748 = vector.broadcast %broadcast_in_dim3A_747 : i32 to vector<16xi32>
    %broadcast_in_dim3A_749 = arith.constant 7 : i32
    %broadcast_in_dim3A_750 = vector.broadcast %broadcast_in_dim3A_749 : i32 to vector<16xi32>
    %broadcast_in_dim3A_751 = arith.constant 8 : i32
    %broadcast_in_dim3A_752 = vector.broadcast %broadcast_in_dim3A_751 : i32 to vector<16xi32>
    %broadcast_in_dim3A_753 = arith.constant 9 : i32
    %broadcast_in_dim3A_754 = vector.broadcast %broadcast_in_dim3A_753 : i32 to vector<16xi32>
    %broadcast_in_dim3A_755 = arith.constant 10 : i32
    %broadcast_in_dim3A_756 = vector.broadcast %broadcast_in_dim3A_755 : i32 to vector<16xi32>
    %broadcast_in_dim3A_757 = arith.constant 11 : i32
    %broadcast_in_dim3A_758 = vector.broadcast %broadcast_in_dim3A_757 : i32 to vector<16xi32>
    %broadcast_in_dim3A_759 = arith.constant 12 : i32
    %broadcast_in_dim3A_760 = vector.broadcast %broadcast_in_dim3A_759 : i32 to vector<16xi32>
    %broadcast_in_dim3A_761 = arith.constant 13 : i32
    %broadcast_in_dim3A_762 = vector.broadcast %broadcast_in_dim3A_761 : i32 to vector<16xi32>
    %broadcast_in_dim3A_763 = arith.constant 14 : i32
    %broadcast_in_dim3A_764 = vector.broadcast %broadcast_in_dim3A_763 : i32 to vector<16xi32>
    %broadcast_in_dim3A_765 = arith.constant 15 : i32
    %broadcast_in_dim3A_766 = vector.broadcast %broadcast_in_dim3A_765 : i32 to vector<16xi32>
    %broadcast_in_dim3A_767 = arith.constant 15 : i32
    %broadcast_in_dim3A_768 = vector.broadcast %broadcast_in_dim3A_767 : i32 to vector<16xi32>
    %scan3A = arith.constant 0 : i32
    %scan3A_769 = arith.constant 0 : i32
    %scan3A_770 = arith.constant 32 : i32
    %scan3A_771 = arith.addi %scan3A_769, %scan3A_770 : i32
    %scan3A_772 = arith.constant 1 : i32
    scf.for %scan3A_774 = %scan3A_769 to %scan3A_771 step %scan3A_772  : i32 {
      %mul3A_775 = arith.constant 16 : i32
      %mul3A_776 = arith.muli %scan3A_774, %mul3A_775 : i32
      %mul3A_777 = arith.constant 16 : i32
      %mul3A_778 = arith.muli %scan3A_774, %mul3A_777 : i32
      %add3A_779 = vector.broadcast %mul3A_778 : i32 to vector<16xi32>
      %add3A_780 = arith.addi %add3A_779, %iota3A : vector<16xi32>
      %get3A_781 = arith.index_cast %mul3A_776 : i32 to index
      %get3A_782 = tpu.vector_load %arg10[%get3A_781] {strides = array<i32>} : memref<512xi32, #tpu.memory_space<vmem>>, vector<16xi32>,
      %and3A = arith.andi %get3A_782, %broadcast_in_dim3A_768 : vector<16xi32>
      %gather3A = tpu.vector_load_idx %arg16[%add3A_780, %and3A] : memref<512x16xf32, #tpu.memory_space<vmem>>[vector<16xi32>, vector<16xi32>], vector<16xf32>,
      %add3A_783 = arith.addf %get3A_705, %gather3A : vector<16xf32>
      %get3A_784 = arith.index_cast %mul3A_776 : i32 to index
      %get3A_785 = tpu.vector_load %arg11[%get3A_784] {strides = array<i32>} : memref<512xi32, #tpu.memory_space<vmem>>, vector<16xi32>,
      %and3A_786 = arith.andi %get3A_785, %broadcast_in_dim3A_768 : vector<16xi32>
      %gather3A_787 = tpu.vector_load_idx %arg17[%add3A_780, %and3A_786] : memref<512x16xf32, #tpu.memory_space<vmem>>[vector<16xi32>, vector<16xi32>], vector<16xf32>,
      %add3A_788 = arith.addf %add3A_783, %gather3A_787 : vector<16xf32>
      %gather3A_789 = tpu.vector_load_idx %arg14[%add3A_780, %broadcast_in_dim3A_736] : memref<512x16xf32, #tpu.memory_space<vmem>>[vector<16xi32>, vector<16xi32>], vector<16xf32>,
      %gather3A_790 = tpu.vector_load_idx %arg15[%add3A_780, %broadcast_in_dim3A_736] : memref<512x16xf32, #tpu.memory_space<vmem>>[vector<16xi32>, vector<16xi32>], vector<16xf32>,
      %mul3A_791 = arith.mulf %gather3A_789, %gather3A_790 : vector<16xf32>
      %mul3A_792 = vector.broadcast %squeeze3A : f32 to vector<16xf32>
      %mul3A_793 = arith.mulf %mul3A_791, %mul3A_792 : vector<16xf32>
      %add3A_794 = arith.addf %add3A_788, %mul3A_793 : vector<16xf32>
      %gather3A_795 = tpu.vector_load_idx %arg14[%add3A_780, %broadcast_in_dim3A_738] : memref<512x16xf32, #tpu.memory_space<vmem>>[vector<16xi32>, vector<16xi32>], vector<16xf32>,
      %gather3A_796 = tpu.vector_load_idx %arg15[%add3A_780, %broadcast_in_dim3A_738] : memref<512x16xf32, #tpu.memory_space<vmem>>[vector<16xi32>, vector<16xi32>], vector<16xf32>,
      %mul3A_797 = arith.mulf %gather3A_795, %gather3A_796 : vector<16xf32>
      %mul3A_798 = vector.broadcast %squeeze3A_707 : f32 to vector<16xf32>
      %mul3A_799 = arith.mulf %mul3A_797, %mul3A_798 : vector<16xf32>
      %add3A_800 = arith.addf %add3A_794, %mul3A_799 : vector<16xf32>
      %gather3A_801 = tpu.vector_load_idx %arg14[%add3A_780, %broadcast_in_dim3A_740] : memref<512x16xf32, #tpu.memory_space<vmem>>[vector<16xi32>, vector<16xi32>], vector<16xf32>,
      %gather3A_802 = tpu.vector_load_idx %arg15[%add3A_780, %broadcast_in_dim3A_740] : memref<512x16xf32, #tpu.memory_space<vmem>>[vector<16xi32>, vector<16xi32>], vector<16xf32>,
      %mul3A_803 = arith.mulf %gather3A_801, %gather3A_802 : vector<16xf32>
      %mul3A_804 = vector.broadcast %squeeze3A_709 : f32 to vector<16xf32>
      %mul3A_805 = arith.mulf %mul3A_803, %mul3A_804 : vector<16xf32>
      %add3A_806 = arith.addf %add3A_800, %mul3A_805 : vector<16xf32>
      %gather3A_807 = tpu.vector_load_idx %arg14[%add3A_780, %broadcast_in_dim3A_742] : memref<512x16xf32, #tpu.memory_space<vmem>>[vector<16xi32>, vector<16xi32>], vector<16xf32>,
      %gather3A_808 = tpu.vector_load_idx %arg15[%add3A_780, %broadcast_in_dim3A_742] : memref<512x16xf32, #tpu.memory_space<vmem>>[vector<16xi32>, vector<16xi32>], vector<16xf32>,
      %mul3A_809 = arith.mulf %gather3A_807, %gather3A_808 : vector<16xf32>
      %mul3A_810 = vector.broadcast %squeeze3A_711 : f32 to vector<16xf32>
      %mul3A_811 = arith.mulf %mul3A_809, %mul3A_810 : vector<16xf32>
      %add3A_812 = arith.addf %add3A_806, %mul3A_811 : vector<16xf32>
      %gather3A_813 = tpu.vector_load_idx %arg14[%add3A_780, %broadcast_in_dim3A_744] : memref<512x16xf32, #tpu.memory_space<vmem>>[vector<16xi32>, vector<16xi32>], vector<16xf32>,
      %gather3A_814 = tpu.vector_load_idx %arg15[%add3A_780, %broadcast_in_dim3A_744] : memref<512x16xf32, #tpu.memory_space<vmem>>[vector<16xi32>, vector<16xi32>], vector<16xf32>,
      %mul3A_815 = arith.mulf %gather3A_813, %gather3A_814 : vector<16xf32>
      %mul3A_816 = vector.broadcast %squeeze3A_713 : f32 to vector<16xf32>
      %mul3A_817 = arith.mulf %mul3A_815, %mul3A_816 : vector<16xf32>
      %add3A_818 = arith.addf %add3A_812, %mul3A_817 : vector<16xf32>
      %gather3A_819 = tpu.vector_load_idx %arg14[%add3A_780, %broadcast_in_dim3A_746] : memref<512x16xf32, #tpu.memory_space<vmem>>[vector<16xi32>, vector<16xi32>], vector<16xf32>,
      %gather3A_820 = tpu.vector_load_idx %arg15[%add3A_780, %broadcast_in_dim3A_746] : memref<512x16xf32, #tpu.memory_space<vmem>>[vector<16xi32>, vector<16xi32>], vector<16xf32>,
      %mul3A_821 = arith.mulf %gather3A_819, %gather3A_820 : vector<16xf32>
      %mul3A_822 = vector.broadcast %squeeze3A_715 : f32 to vector<16xf32>
      %mul3A_823 = arith.mulf %mul3A_821, %mul3A_822 : vector<16xf32>
      %add3A_824 = arith.addf %add3A_818, %mul3A_823 : vector<16xf32>
      %gather3A_825 = tpu.vector_load_idx %arg14[%add3A_780, %broadcast_in_dim3A_748] : memref<512x16xf32, #tpu.memory_space<vmem>>[vector<16xi32>, vector<16xi32>], vector<16xf32>,
      %gather3A_826 = tpu.vector_load_idx %arg15[%add3A_780, %broadcast_in_dim3A_748] : memref<512x16xf32, #tpu.memory_space<vmem>>[vector<16xi32>, vector<16xi32>], vector<16xf32>,
      %mul3A_827 = arith.mulf %gather3A_825, %gather3A_826 : vector<16xf32>
      %mul3A_828 = vector.broadcast %squeeze3A_717 : f32 to vector<16xf32>
      %mul3A_829 = arith.mulf %mul3A_827, %mul3A_828 : vector<16xf32>
      %add3A_830 = arith.addf %add3A_824, %mul3A_829 : vector<16xf32>
      %gather3A_831 = tpu.vector_load_idx %arg14[%add3A_780, %broadcast_in_dim3A_750] : memref<512x16xf32, #tpu.memory_space<vmem>>[vector<16xi32>, vector<16xi32>], vector<16xf32>,
      %gather3A_832 = tpu.vector_load_idx %arg15[%add3A_780, %broadcast_in_dim3A_750] : memref<512x16xf32, #tpu.memory_space<vmem>>[vector<16xi32>, vector<16xi32>], vector<16xf32>,
      %mul3A_833 = arith.mulf %gather3A_831, %gather3A_832 : vector<16xf32>
      %mul3A_834 = vector.broadcast %squeeze3A_719 : f32 to vector<16xf32>
      %mul3A_835 = arith.mulf %mul3A_833, %mul3A_834 : vector<16xf32>
      %add3A_836 = arith.addf %add3A_830, %mul3A_835 : vector<16xf32>
      %gather3A_837 = tpu.vector_load_idx %arg14[%add3A_780, %broadcast_in_dim3A_752] : memref<512x16xf32, #tpu.memory_space<vmem>>[vector<16xi32>, vector<16xi32>], vector<16xf32>,
      %gather3A_838 = tpu.vector_load_idx %arg15[%add3A_780, %broadcast_in_dim3A_752] : memref<512x16xf32, #tpu.memory_space<vmem>>[vector<16xi32>, vector<16xi32>], vector<16xf32>,
      %mul3A_839 = arith.mulf %gather3A_837, %gather3A_838 : vector<16xf32>
      %mul3A_840 = vector.broadcast %squeeze3A_721 : f32 to vector<16xf32>
      %mul3A_841 = arith.mulf %mul3A_839, %mul3A_840 : vector<16xf32>
      %add3A_842 = arith.addf %add3A_836, %mul3A_841 : vector<16xf32>
      %gather3A_843 = tpu.vector_load_idx %arg14[%add3A_780, %broadcast_in_dim3A_754] : memref<512x16xf32, #tpu.memory_space<vmem>>[vector<16xi32>, vector<16xi32>], vector<16xf32>,
      %gather3A_844 = tpu.vector_load_idx %arg15[%add3A_780, %broadcast_in_dim3A_754] : memref<512x16xf32, #tpu.memory_space<vmem>>[vector<16xi32>, vector<16xi32>], vector<16xf32>,
      %mul3A_845 = arith.mulf %gather3A_843, %gather3A_844 : vector<16xf32>
      %mul3A_846 = vector.broadcast %squeeze3A_723 : f32 to vector<16xf32>
      %mul3A_847 = arith.mulf %mul3A_845, %mul3A_846 : vector<16xf32>
      %add3A_848 = arith.addf %add3A_842, %mul3A_847 : vector<16xf32>
      %gather3A_849 = tpu.vector_load_idx %arg14[%add3A_780, %broadcast_in_dim3A_756] : memref<512x16xf32, #tpu.memory_space<vmem>>[vector<16xi32>, vector<16xi32>], vector<16xf32>,
      %gather3A_850 = tpu.vector_load_idx %arg15[%add3A_780, %broadcast_in_dim3A_756] : memref<512x16xf32, #tpu.memory_space<vmem>>[vector<16xi32>, vector<16xi32>], vector<16xf32>,
      %mul3A_851 = arith.mulf %gather3A_849, %gather3A_850 : vector<16xf32>
      %mul3A_852 = vector.broadcast %squeeze3A_725 : f32 to vector<16xf32>
      %mul3A_853 = arith.mulf %mul3A_851, %mul3A_852 : vector<16xf32>
      %add3A_854 = arith.addf %add3A_848, %mul3A_853 : vector<16xf32>
      %gather3A_855 = tpu.vector_load_idx %arg14[%add3A_780, %broadcast_in_dim3A_758] : memref<512x16xf32, #tpu.memory_space<vmem>>[vector<16xi32>, vector<16xi32>], vector<16xf32>,
      %gather3A_856 = tpu.vector_load_idx %arg15[%add3A_780, %broadcast_in_dim3A_758] : memref<512x16xf32, #tpu.memory_space<vmem>>[vector<16xi32>, vector<16xi32>], vector<16xf32>,
      %mul3A_857 = arith.mulf %gather3A_855, %gather3A_856 : vector<16xf32>
      %mul3A_858 = vector.broadcast %squeeze3A_727 : f32 to vector<16xf32>
      %mul3A_859 = arith.mulf %mul3A_857, %mul3A_858 : vector<16xf32>
      %add3A_860 = arith.addf %add3A_854, %mul3A_859 : vector<16xf32>
      %gather3A_861 = tpu.vector_load_idx %arg14[%add3A_780, %broadcast_in_dim3A_760] : memref<512x16xf32, #tpu.memory_space<vmem>>[vector<16xi32>, vector<16xi32>], vector<16xf32>,
      %gather3A_862 = tpu.vector_load_idx %arg15[%add3A_780, %broadcast_in_dim3A_760] : memref<512x16xf32, #tpu.memory_space<vmem>>[vector<16xi32>, vector<16xi32>], vector<16xf32>,
      %mul3A_863 = arith.mulf %gather3A_861, %gather3A_862 : vector<16xf32>
      %mul3A_864 = vector.broadcast %squeeze3A_729 : f32 to vector<16xf32>
      %mul3A_865 = arith.mulf %mul3A_863, %mul3A_864 : vector<16xf32>
      %add3A_866 = arith.addf %add3A_860, %mul3A_865 : vector<16xf32>
      %gather3A_867 = tpu.vector_load_idx %arg14[%add3A_780, %broadcast_in_dim3A_762] : memref<512x16xf32, #tpu.memory_space<vmem>>[vector<16xi32>, vector<16xi32>], vector<16xf32>,
      %gather3A_868 = tpu.vector_load_idx %arg15[%add3A_780, %broadcast_in_dim3A_762] : memref<512x16xf32, #tpu.memory_space<vmem>>[vector<16xi32>, vector<16xi32>], vector<16xf32>,
      %mul3A_869 = arith.mulf %gather3A_867, %gather3A_868 : vector<16xf32>
      %mul3A_870 = vector.broadcast %squeeze3A_731 : f32 to vector<16xf32>
      %mul3A_871 = arith.mulf %mul3A_869, %mul3A_870 : vector<16xf32>
      %add3A_872 = arith.addf %add3A_866, %mul3A_871 : vector<16xf32>
      %gather3A_873 = tpu.vector_load_idx %arg14[%add3A_780, %broadcast_in_dim3A_764] : memref<512x16xf32, #tpu.memory_space<vmem>>[vector<16xi32>, vector<16xi32>], vector<16xf32>,
      %gather3A_874 = tpu.vector_load_idx %arg15[%add3A_780, %broadcast_in_dim3A_764] : memref<512x16xf32, #tpu.memory_space<vmem>>[vector<16xi32>, vector<16xi32>], vector<16xf32>,
      %mul3A_875 = arith.mulf %gather3A_873, %gather3A_874 : vector<16xf32>
      %mul3A_876 = vector.broadcast %squeeze3A_733 : f32 to vector<16xf32>
      %mul3A_877 = arith.mulf %mul3A_875, %mul3A_876 : vector<16xf32>
      %add3A_878 = arith.addf %add3A_872, %mul3A_877 : vector<16xf32>
      %gather3A_879 = tpu.vector_load_idx %arg14[%add3A_780, %broadcast_in_dim3A_766] : memref<512x16xf32, #tpu.memory_space<vmem>>[vector<16xi32>, vector<16xi32>], vector<16xf32>,
      %gather3A_880 = tpu.vector_load_idx %arg15[%add3A_780, %broadcast_in_dim3A_766] : memref<512x16xf32, #tpu.memory_space<vmem>>[vector<16xi32>, vector<16xi32>], vector<16xf32>,
      %mul3A_881 = arith.mulf %gather3A_879, %gather3A_880 : vector<16xf32>
      %mul3A_882 = vector.broadcast %squeeze3A_735 : f32 to vector<16xf32>
      %mul3A_883 = arith.mulf %mul3A_881, %mul3A_882 : vector<16xf32>
      %add3A_884 = arith.addf %add3A_878, %mul3A_883 : vector<16xf32>
      %neg3A = arith.constant 0.000000e+00 : f32
      %neg3A_885 = vector.broadcast %neg3A : f32 to vector<16xf32>
      %neg3A_886 = arith.subf %neg3A_885, %add3A_884 : vector<16xf32>
      %exp3A = math.exp %neg3A_886 : vector<16xf32>
      %add3A_887 = arith.constant 1.000000e+00 : f32
      %add3A_888 = vector.broadcast %add3A_887 : f32 to vector<16xf32>
      %add3A_889 = arith.addf %add3A_888, %exp3A : vector<16xf32>
      %div3A = arith.constant 1.000000e+00 : f32
      %div3A_890 = vector.broadcast %div3A : f32 to vector<16xf32>
      %div3A_891 = arith.divf %div3A_890, %add3A_889 : vector<16xf32>
      %swap3A_892 = arith.index_cast %mul3A_776 : i32 to index
      %swap3A_893 = tpu.vector_load %arg19[%swap3A_892] {strides = array<i32>} : memref<512xf32, #tpu.memory_space<vmem>>, vector<16xf32>,
      tpu.vector_store %arg19[%swap3A_892], %div3A_891 {strides = array<i32>} : memref<512xf32, #tpu.memory_space<vmem>>, vector<16xf32>,
    }
    %scan3A_773 = arith.constant 32 : i32
    "tpu.region"() ({
      %run_scoped3A = tpu.sem_alloc : memref<!tpu.dma_semaphore, #tpu.memory_space<semaphore_mem>>
      %dma_start3A_774 = tpu.memref_slice %arg9[%mul3A_2] : memref<16384xf32, #tpu.memory_space<hbm>> -> memref<512xf32, #tpu.memory_space<hbm>>
      %dma_start3A_775 = tpu.memref_slice %arg9[%mul3A_2] : memref<16384xf32, #tpu.memory_space<hbm>> -> memref<512xf32, #tpu.memory_space<hbm>>
      tpu.enqueue_dma source(%arg19 : memref<512xf32, #tpu.memory_space<vmem>>) target(%dma_start3A_775 : memref<512xf32, #tpu.memory_space<hbm>>) target_semaphore(%run_scoped3A : memref<!tpu.dma_semaphore, #tpu.memory_space<semaphore_mem>>)
      %dma_wait3A_776 = tpu.memref_slice %arg9[%mul3A_2] : memref<16384xf32, #tpu.memory_space<hbm>> -> memref<512xf32, #tpu.memory_space<hbm>>
      %dma_wait3A_777 = tpu.memref_slice %arg9[%mul3A_2] : memref<16384xf32, #tpu.memory_space<hbm>> -> memref<512xf32, #tpu.memory_space<hbm>>
      tpu.wait_dma2 semaphore(%run_scoped3A : memref<!tpu.dma_semaphore, #tpu.memory_space<semaphore_mem>>) src(%arg19 : memref<512xf32, #tpu.memory_space<vmem>>) dst(%dma_wait3A_777 : memref<512xf32, #tpu.memory_space<hbm>>)
      tpu.yield
    }) : () -> ()
    return
  }
}

module attributes {stable_mosaic.version = 14 : i64} {
  func.func @_mv_body(%arg0: i32, %arg1: memref<32x16384xf32, #tpu.memory_space<vmem>>, %arg2: memref<32xf32, #tpu.memory_space<vmem>>, %arg3: memref<16384xf32, #tpu.memory_space<vmem>>) attributes {dimension_semantics = [#tpu.dimension_semantics<arbitrary>], iteration_bounds = array<i64: 62>, scalar_prefetch = 0 : i64, scratch_operands = 0 : i64, tpu.core_type = #tpu.core_type<tc>, window_params = [{transform_indices = @transform_0, window_bounds = array<i64: 32, 16384>}, {pipeline_mode = #tpu.pipeline_mode<synchronous>, transform_indices = @transform_1, window_bounds = array<i64: 32>}, {transform_indices = @transform_2, window_bounds = array<i64: 16384>}]} {
    %get3A = arith.constant 0 : index
    %get3A_0 = arith.constant 0 : index
    %get3A_1 = vector.load %arg1[%get3A, %get3A_0] : memref<32x16384xf32, #tpu.memory_space<vmem>>, vector<32x16384xf32>
    %get3A_2 = arith.constant 0 : index
    %get3A_3 = vector.load %arg2[%get3A_2] : memref<32xf32, #tpu.memory_space<vmem>>, vector<32xf32>
    %broadcast_in_dim3A = vector.shape_cast %get3A_3 : vector<32xf32> to vector<32x1xf32>
    %mul3A = vector.broadcast %broadcast_in_dim3A : vector<32x1xf32> to vector<32x16384xf32>
    %mul3A_4 = arith.mulf %get3A_1, %mul3A : vector<32x16384xf32>
    %reduce_sum3A = arith.constant dense<0.000000e+00> : vector<16384xf32>
    %reduce_sum3A_5 = vector.multi_reduction <add>, %mul3A_4, %reduce_sum3A [0] : vector<32x16384xf32> to vector<16384xf32>
    %swap3A = arith.constant 0 : index
    %swap3A_6 = vector.load %arg3[%swap3A] : memref<16384xf32, #tpu.memory_space<vmem>>, vector<16384xf32>
    tpu.vector_store %arg3[%swap3A], %reduce_sum3A_5 {strides = array<i32>} : memref<16384xf32, #tpu.memory_space<vmem>>, vector<16384xf32>,
    return
  }
  func.func @transform_0(%arg0: i32) -> (i32, i32) {
    %c0_i32 = arith.constant 0 : i32
    %c0_i32_0 = arith.constant 0 : i32
    return %c0_i32, %arg0 : i32, i32
  }
  func.func @transform_1(%arg0: i32) -> i32 {
    %c0_i32 = arith.constant 0 : i32
    %c0_i32_0 = arith.constant 0 : i32
    return %c0_i32 : i32
  }
  func.func @transform_2(%arg0: i32) -> i32 {
    %c0_i32 = arith.constant 0 : i32
    return %arg0 : i32
  }
}

</mosaic_0001>

<sc_bundles>
// kernel: kernel.5.cloned.1.call-start
scs
__scs_entry_jumppad:
0x0: {  	(pc) =	sbr.rel $0x88, $3  }
0x1: {  	(tag) =	ssettag $0x0;
	lr =	simm.s32 $0x1  }
0x2: {  	[smem:$0x3F96] =	sst lr;
	_ =	strace $0xD0000000  }
0x3: {  	_ = 	snop  }
0x4: {  	_ = 	snop  }
0x5: {  	_ = 	snop  }
0x6: {  	_ = 	snop  }
0x7: {  	_ = 	snop  }
__scs_overlays_trampoline_lowered:
0x8: {  	[smem:$0x3FA5] =	sst s0  }
0x9: {  	[smem:$0x3FA6] =	sst s1  }
0xa: {  	[smem:$0x3FA7] =	sst s2  }
0xb: {  	[smem:$0x3FA8] =	sst s3  }
0xc: {  	[smem:$0x3FA9] =	sst s4  }
0xd: {  	[smem:$0x3FAA] =	sst s5  }
0xe: {  	[smem:$0x3FAB] =	sst s6  }
0xf: {  	[smem:$0x3FAC] =	sst s7  }
0x10: {  	[smem:$0x3FAD] =	sst s8  }
0x11: {  	[smem:$0x3FAE] =	sst s9;
	s0 =	simm.s32 @!p0 $0x0  }
0x12: {  	s1 =	sld [smem:$0x3F94];
	s0 =	simm.s32 @p0 $0x1  }
0x13: {  	[smem:$0x3FAF] =	sst s0;
	s0 =	simm.s32 @!p1 $0x0  }
0x14: {  	s2 =	sld [smem:$0x3F93];
	s0 =	simm.s32 @p1 $0x1  }
0x15: {  	[smem:$0x3FB0] =	sst s0;
	s0 =	simm.s32 @!p2 $0x0  }
0x16: {  	s3 =	sld [smem:$0x3FDB];
	s0 =	simm.s32 @p2 $0x1  }
0x17: {  	s4 =	simm.s32 $0x1BF5;
	[smem:$0x3FB2] =	sst s0  }
0x18: {  	s0 =	sld [smem:$0x3F95];
	_ =	swait.ge [sflag:s4], $0x0  }
0x19: {  	s7 =	sld [smem:$0x3F96]  }
0x1a: {  	s8 =	sadd.s32 $0xFFFFE003, lr  }
0x1b: {  	s9 =	sadd.s32 $0xFFFFFEF7, lr;
	s5 =	simm.s32 $0xFFFFFFFF;
	p2 =	slt.u32 s8, $0xFFFFF086  }
0x1c: {  	p1 =	slt.u32 s9, $0xF7A;
	s5 =	simm.s32 @!p2 $0x0  }
0x1d: {  	s5 =	simm.s32 @p1 $0x1;
	p0 =	seq.s32 s7, s2  }
0x1e: {  	s7 =	smul.u32 @!p0 $0xF7A, s2;
	p2 =	seq.s32 @!p0 s5, $0x0  }
0x1f: {  	s9 =	smul.u32 $0xF7A, s1;
	s8 =	simm.s32 @!p0 $0x1BF5;
	p2 =	por !p2, p0  }
0x20: {  	[sflag:s8] =	ssyncset.s32 @!p0 $0xFFFFF086;
	s6 =	sadd.s32 @!p0 s3, s7;
	s7 =	simm.s32 @!p0 $0x108  }
0x21: {  	s3 =	sadd.s32 s3, s9;
	s6 =	sadd.s32 @!p0 $0x88, s6;
	s7 =	simm.s32 @p2 $0x1082  }
0x22: {  	[simem:s7], [sflag:s8] =	dma.local @!p0 [hbm:s6], $0xF7A  }
0x23: {  	s9 =	sor.u32 $0xD0000000, s2;
	s6 =	simm.s32 $0x108;
	_ =	swait.ge @!p0 [sflag:s8], $0x0  }
0x24: {  	s3 =	sadd.s32 $0x88, s3;
	s6 =	simm.s32 @!p1 $0x1082;
	[sflag:s4] =	ssyncset.s32 $0xFFFFF086  }
0x25: {  	[simem:s6], [sflag:s4] =	dma.local [hbm:s3], $0xF7A  }
0x26: {  	[smem:$0x3F96] =	sst s1;
	(tag) =	ssettag s2;
	_ =	strace s9  }
0x27: {  	s1 =	sld [smem:$0x3FA6]  }
0x28: {  	s2 =	sld [smem:$0x3FA7]  }
0x29: {  	s4 =	sld [smem:$0x3FA9]  }
0x2a: {  	p0 =	seq.s32 s5, $0x0;
	s5 =	sld [smem:$0x3FAA]  }
0x2b: {  	s6 =	sld [smem:$0x3FAB]  }
0x2c: {  	s7 =	sld [smem:$0x3FAC]  }
0x2d: {  	s3 =	simm.s32 $0x108;
	s8 =	sld [smem:$0x3FAD]  }
0x2e: {  	s3 =	simm.s32 @!p0 $0x1082;
	s9 =	sld [smem:$0x3FAE]  }
0x2f: {  	lr =	sadd.s32 s0, s3;
	s0 =	sld [smem:$0x3FA5]  }
0x30: {  	s3 =	sld [smem:$0x3FA8]  }
0x31: {  	[smem:$0x3FB1] =	sst s10  }
0x32: {  	s10 =	sld [smem:$0x3FAF];
	_ =	sdelay $0x3  }
0x33: {  	p0 =	seq.s32 s10, $0x1;
	s10 =	sld [smem:$0x3FB1];
	_ =	sdelay $0x3  }
0x34: {  	[smem:$0x3FB1] =	sst s10  }
0x35: {  	s10 =	sld [smem:$0x3FB0];
	_ =	sdelay $0x3  }
0x36: {  	p1 =	seq.s32 s10, $0x1;
	s10 =	sld [smem:$0x3FB1];
	_ =	sdelay $0x3  }
0x37: {  	[smem:$0x3FB1] =	sst s10  }
0x38: {  	s10 =	sld [smem:$0x3FB2]  }
0x39: {  	_ = 	snop;
	(pc) =	sbr.ind lr, $3  }
0x3a: {  	_ = 	snop  }
0x3b: {  	_ = 	snop  }
0x3c: {  	p2 =	seq.s32 s10, $0x1;
	s10 =	sld [smem:$0x3FB1]  }
0x3d: {  	_ =	shalt  }
0x3e: {  	_ =	shalt  }
0x3f: {  	_ =	shalt  }
0x40: {  	_ =	shalt  }
0x41: {  	_ =	shalt  }
0x42: {  	_ =	shalt  }
0x43: {  	_ =	shalt  }
0x44: {  	_ =	shalt  }
0x45: {  	_ =	shalt  }
0x46: {  	_ =	shalt  }
0x47: {  	_ =	shalt  }
0x48: {  	_ =	shalt  }
0x49: {  	_ =	shalt  }
0x4a: {  	_ =	shalt  }
0x4b: {  	_ =	shalt  }
0x4c: {  	_ =	shalt  }
0x4d: {  	_ =	shalt  }
0x4e: {  	_ =	shalt  }
0x4f: {  	_ =	shalt  }
0x50: {  	_ =	shalt  }
0x51: {  	_ =	shalt  }
0x52: {  	_ =	shalt  }
0x53: {  	_ =	shalt  }
0x54: {  	_ =	shalt  }
0x55: {  	_ =	shalt  }
0x56: {  	_ =	shalt  }
0x57: {  	_ =	shalt  }
0x58: {  	_ =	shalt  }
0x59: {  	_ =	shalt  }
0x5a: {  	_ =	shalt  }
0x5b: {  	_ =	shalt  }
0x5c: {  	_ =	shalt  }
0x5d: {  	_ =	shalt  }
0x5e: {  	_ =	shalt  }
0x5f: {  	_ =	shalt  }
0x60: {  	_ =	shalt  }
0x61: {  	_ =	shalt  }
0x62: {  	_ =	shalt  }
0x63: {  	_ =	shalt  }
0x64: {  	_ =	shalt  }
0x65: {  	_ =	shalt  }
0x66: {  	_ =	shalt  }
0x67: {  	_ =	shalt  }
0x68: {  	_ =	shalt  }
0x69: {  	_ =	shalt  }
0x6a: {  	_ =	shalt  }
0x6b: {  	_ =	shalt  }
0x6c: {  	_ =	shalt  }
0x6d: {  	_ =	shalt  }
0x6e: {  	_ =	shalt  }
0x6f: {  	_ =	shalt  }
0x70: {  	_ =	shalt  }
0x71: {  	_ =	shalt  }
0x72: {  	_ =	shalt  }
0x73: {  	_ =	shalt  }
0x74: {  	_ =	shalt  }
0x75: {  	_ =	shalt  }
0x76: {  	_ =	shalt  }
0x77: {  	_ =	shalt  }
0x78: {  	_ =	shalt  }
0x79: {  	_ =	shalt  }
0x7a: {  	_ =	shalt  }
0x7b: {  	_ =	shalt  }
0x7c: {  	_ =	shalt  }
0x7d: {  	_ =	shalt  }
0x7e: {  	_ =	shalt  }
0x7f: {  	_ =	shalt  }
0x80: {  	_ =	shalt  }
0x81: {  	_ =	shalt  }
0x82: {  	_ =	shalt  }
0x83: {  	_ =	shalt  }
0x84: {  	_ =	shalt  }
0x85: {  	_ =	shalt  }
0x86: {  	_ =	shalt  }
0x87: {  	_ =	shalt  }
.Lfunc_end0:
.L_simem_size_0:
called_computation_lowered:
.L_overlay_start_0:
0x88: {  	s2 =	sld [smem:$0x3FD9]  }
0x89: {  	s3 =	sld [smem:$0x3FFE];
	_ =	sdelay $0x1  }
0x8a: {  	s1 =	srdreg.scid  }
0x8b: {  	s0 =	sand.u32 $0x1, s1  }
0x8c: {  	s17 =	sshll.u32 s0, $0xA;
	s2 =	sadd.s32 s3, s2  }
0x8d: {  	s2 =	sadd.s32 s2, s17  }
0x8e: {  	[smem:$0x3FBD] =	sst s2  }
0x8f: {  	_ = 	snop  }
0x90: {  	s2 =	sld [smem:$0x3FD0];
	(tm) =	ssettm $0x1  }
0x91: {  	s18 =	sld [smem:$0x3FFB];
	_ =	sdelay $0x3  }
0x92: {  	_ =	strace s18  }
0x93: {  	s3 =	sld [smem:$0x3FFC];
	_ =	sdelay $0x3  }
0x94: {  	_ =	strace s3  }
0x95: {  	s3 =	sld [smem:$0x3FFD];
	_ =	sdelay $0x3  }
0x96: {  	_ =	strace s3  }
0x97: {  	_ =	strace $0x8FFFFFFF  }
0x98: {  	s19 =	sld [smem:$0x3FDB];
	_ =	sdelay $0x1  }
0x99: {  	s4 =	simm.s32 $_scs_section_size  }
0x9a: {  	s5 =	simm.s32 $_size__tile_overlayer_lowered;
	s6 =	simm.s32 $_tile_overlayer_lowered  }
0x9b: {  	s22 =	simm.s32 $0x1BFF;
	s21 =	sshll.u32 s6, $0x1;
	s3 =	sadd.s32 s4, s19  }
0x9c: {  	s7 =	simm.s32 $0x0;
	s20 =	sshll.u32 s5, $0x1;
	s5 =	sadd.s32 s21, s3  }
0x9d: {  	[timem:s7], [sflag:s22] =	dma.local [hbm:s5], s20  }
0x9e: {  	_ =	swait.ge [sflag:s22], s20  }
0x9f: {  	s4 =	ssub.s32 $0x0, s20;
	[sflag:s22] =	ssyncset.done $0x0  }
0xa0: {  	[sflag:s22] =	ssyncadd.s32 s4;
	_ =	sdelay $0x1  }
0xa1: {  	s23 =	simm.s32 $0x1B8B  }
0xa2: {  	_ =	swait.ge [sflag:s23], $0x1  }
0xa3: {  	[sflag:s23] =	ssyncset.done $0x0  }
0xa4: {  	s25 =	simm.s32 $0x1B8E;
	s24 =	sld [smem:$0x3FFE];
	[sflag:s23] =	ssyncadd.s32 $0xFFFFFFFF  }
0xa5: {  	s26 =	simm.s32 $execute0_lowered;
	[smem:$0x3FD2] =	sst s25  }
0xa6: {  	s5 =	sshll.u32 s26, $0x1;
	_ =	strace $0x80000046;
	[dreg:$0x1] =	wrdreg $0xFFFFFFFF  }
0xa7: {  	s28 =	simm.s32 $_size_execute0_lowered;
	s3 =	sadd.s32 s3, s5;
	[dreg:$0x0] =	wrdreg $0x0  }
0xa8: {  	s5 =	sshll.u32 s28, $0x1;
	[dreg:$0x2] =	wrdreg s3  }
0xa9: {  	[dreg:$0x3] =	wrdreg s5  }
0xaa: {  	[dreg:$0x4] =	wrdreg $0xC0  }
0xab: {  	_ =	task [dreg:s7], $0x5FFFF  }
0xac: {  	[dreg:$0x1] =	wrdreg $0xFFFFFFFF  }
0xad: {  	[dreg:$0x0] =	wrdreg $0x60  }
0xae: {  	[dreg:$0x2] =	wrdreg s24  }
0xaf: {  	[dreg:$0x3] =	wrdreg s2  }
0xb0: {  	[dreg:$0x4] =	wrdreg $0x9  }
0xb1: {  	_ =	task.clear_ibuf [dreg:s7], $0x5FFFF;
	_ =	strace $0x90000046  }
0xb2: {  	s29 =	simm.s32 $0x9;
	_ =	strace $0x80000048  }
0xb3: {  	_ =	swait.ge [sflag:s29], $0x1  }
0xb4: {  	[sflag:s29] =	ssyncadd.s32 $0xFFFFFFFF  }
0xb5: {  	_ =	strace $0x90000048  }
0xb6: {  	_ =	sfence  }
0xb7: {  	s30 =	sld [smem:$0x0];
	_ =	sdelay $0x2  }
0xb8: {  	s31 =	sshll.u32 s1, $0xD;
	s1 =	sshrl.u32 s1, $0x2  }
0xb9: {  	s3 =	sand.u32 $0x4000, s31;
	s1 =	sadd.s32 s1, s30  }
0xba: {  	s0 =	sor.u32 s3, s0;
	s1 =	sshll.u32 s1, $0x11  }
0xbb: {  	s0 =	sor.u32 s1, s0  }
0xbc: {  	s0 =	sadd.s32 $0x8F2B, s0  }
0xbd: {  	[sflag:s0] =	ssyncadd.remote.s32 $0x1  }
0xbe: {  	_ =	sfence.sel $0xFFFF  }
0xbf: {  	[dreg:$0x0] =	wrdreg $0xFFFFFFFF;
	(pc) =	sbr.abs _section_cstart, $3  }
0xc0: {  	[dreg:$0x1] =	wrdreg $0xFFFFFFFF  }
0xc1: {  	_ =	task.clear_ibuf [dreg:s7], $0x2FFFF;
	_ =	strace $0x9FFFFFFF  }
0xc2: {  	(tm) =	ssettm $0x7FFFFFFF  }
0xc3: {  	_ =	shalt  }
tec
execute0_lowered:
.L_overlay_start_1:
0x0: {  	(tag) =	ssettag $0x1  }
0x1: {  	s0 =	rddreg [dreg:$0x0]  }
0x2: {  	s1 =	rddreg [dreg:$0x1]  }
0x3: {  	s3 =	srdreg.scid;
	s2 =	simm.s32 $0x0;
	s5 =	stileid.u32  }
0x4: {  	s13 =	simm.s32 $0x2;
	s14 =	simm.s32 $0x80;
	s15 =	simm.s32 $0x800  }
0x5: {  	s16 =	simm.s32 $0x2800;
	s18 =	simm.s32 $0x4800;
	s20 =	simm.s32 $0x6800  }
0x6: {  	s21 =	simm.s32 $0x180;
	s22 =	simm.s32 $0x2000;
	s23 =	simm.s32 $0x380  }
0x7: {  	s28 =	simm.s32 $0x780;
	s29 =	simm.s32 $0x8000;
	s30 =	simm.s32 $0x1  }
0x8: {  	s31 =	simm.s32 $0x8820;
	s4 =	sand.u32 $0x1, s3;
	[smem:$0x7FF] =	sst s2  }
0x9: {  	s24 =	sshll.u32 s5, $0x7;
	s3 =	sadd.s32 $0xF44400, s0;
	s5 =	sadd.s32 $0x2200, s0  }
0xa: {  	s6 =	sadd.s32 $0x20C00, s0;
	s7 =	sadd.s32 $0x1E00, s0;
	s25 =	sshll.u32 s4, $0x6  }
0xb: {  	_ =	strace $0x80000047;
	s8 =	ssub.s32 $0x2, s4;
	s4 =	sadd.s32 $0x112CA00, s0  }
0xc: {  	s10 =	sor.u32 s25, s24;
	s11 =	sshrl.u32 s8, $0x1;
	s24 =	simm.s32 $0x4000  }
0xd: {  	s25 =	simm.s32 $0x580;
	s9 =	sadd.s32 s10, s0;
	s26 =	ssub.s32 s8, s11  }
0xe: {  	v0 =	vlaneseq.u32;
	s10 =	sadd.s32 s1, s10;
	s0 =	simm.s32 $0x0;
	s8 =	sadd.s32 $0x1600, s9  }
0xf: {  	v0 =	vmul.u32 $0x10, v0;
	s9 =	sadd.s32 $0xE00, s9;
	s11 =	smax.u32 s26, $0x1;
	s26 =	simm.s32 $0x6000  }
.LBB2_1:
0x10: {  	s1 =	simm.s32 $0x8800  }
0x11: {  	[tilespmem:s1], [sflag:$0x2] =	stream.linear.gather [hbm4b:s7+s2], $0x20, $0x38;
	[tilespmem:$0x8A20] =	vst v63  }
0x12: {  	_ =	swait.ge [sflag:s13], $0x20  }
0x13: {  	[sflag:s13] =	ssyncset.done $0x0  }
0x14: {  	[sflag:s13] =	ssyncadd.s32 $0xFFFFFFE0  }
0x15: {  	[tilespmem:s2], [sflag:$0x2] =	stream.linear.gather [hbm4b:s8+s2], $0x200, $0x38;
	[tilespmem:$0x8A20] =	vst v63  }
0x16: {  	_ =	swait.ge [sflag:s13], $0x200  }
0x17: {  	[sflag:s13] =	ssyncset.done $0x0  }
0x18: {  	s1 =	simm.s32 $0x200;
	[sflag:s13] =	ssyncadd.s32 $0xFFFFFE00  }
0x19: {  	[tilespmem:s1], [sflag:$0x2] =	stream.linear.gather [hbm4b:s9+s2], $0x200, $0x38;
	[tilespmem:$0x8A20] =	vst v63  }
0x1a: {  	_ =	swait.ge [sflag:s13], $0x200  }
0x1b: {  	[sflag:s13] =	ssyncset.done $0x0  }
0x1c: {  	[sflag:s13] =	ssyncadd.s32 $0xFFFFFE00  }
0x1d: {  	v1 =	vld [tilespmem:$0x0]  }
0x1e: {  	v2 =	vld [tilespmem:$0x200]  }
0x1f: {  	v3 =	vld [tilespmem:$0x10]  }
0x20: {  	v4 =	vld [tilespmem:$0x210]  }
0x21: {  	v5 =	vld [tilespmem:$0x20]  }
0x22: {  	v6 =	vld [tilespmem:$0x220];
	v1 =	vshrl.u32 v1, $0x4  }
0x23: {  	[tilespmem:$0x400] =	vst v1;
	v1 =	vshrl.u32 v2, $0x4;
	v2 =	vld [tilespmem:$0x30]  }
0x24: {  	[tilespmem:$0x600] =	vst v1;
	v1 =	vshrl.u32 v3, $0x4;
	v3 =	vld [tilespmem:$0x230]  }
0x25: {  	[tilespmem:$0x410] =	vst v1;
	v1 =	vshrl.u32 v4, $0x4;
	v4 =	vld [tilespmem:$0x40]  }
0x26: {  	[tilespmem:$0x610] =	vst v1;
	v1 =	vshrl.u32 v5, $0x4;
	v5 =	vld [tilespmem:$0x240]  }
0x27: {  	[tilespmem:$0x420] =	vst v1;
	v1 =	vshrl.u32 v6, $0x4;
	v6 =	vld [tilespmem:$0x50]  }
0x28: {  	[tilespmem:$0x620] =	vst v1;
	v1 =	vshrl.u32 v2, $0x4;
	v2 =	vld [tilespmem:$0x250]  }
0x29: {  	[tilespmem:$0x430] =	vst v1;
	v1 =	vshrl.u32 v3, $0x4;
	v3 =	vld [tilespmem:$0x60]  }
0x2a: {  	[tilespmem:$0x630] =	vst v1;
	v1 =	vshrl.u32 v4, $0x4;
	v4 =	vld [tilespmem:$0x260]  }
0x2b: {  	[tilespmem:$0x440] =	vst v1;
	v1 =	vshrl.u32 v5, $0x4;
	v5 =	vld [tilespmem:$0x70]  }
0x2c: {  	[tilespmem:$0x640] =	vst v1;
	v1 =	vshrl.u32 v6, $0x4;
	v6 =	vld [tilespmem:$0x270]  }
0x2d: {  	[tilespmem:$0x450] =	vst v1;
	v1 =	vshrl.u32 v2, $0x4;
	v2 =	vld [tilespmem:$0x80]  }
0x2e: {  	[tilespmem:$0x650] =	vst v1;
	v1 =	vshrl.u32 v3, $0x4;
	v3 =	vld [tilespmem:$0x280]  }
0x2f: {  	[tilespmem:$0x460] =	vst v1;
	v1 =	vshrl.u32 v4, $0x4;
	v4 =	vld [tilespmem:$0x90]  }
0x30: {  	[tilespmem:$0x660] =	vst v1;
	v1 =	vshrl.u32 v5, $0x4;
	v5 =	vld [tilespmem:$0x290]  }
0x31: {  	[tilespmem:$0x470] =	vst v1;
	v1 =	vshrl.u32 v6, $0x4;
	v6 =	vld [tilespmem:$0xA0]  }
0x32: {  	[tilespmem:$0x670] =	vst v1;
	v1 =	vshrl.u32 v2, $0x4;
	v2 =	vld [tilespmem:$0x2A0]  }
0x33: {  	[tilespmem:$0x480] =	vst v1;
	v1 =	vshrl.u32 v3, $0x4;
	v3 =	vld [tilespmem:$0xB0]  }
0x34: {  	[tilespmem:$0x680] =	vst v1;
	v1 =	vshrl.u32 v4, $0x4;
	v4 =	vld [tilespmem:$0x2B0]  }
0x35: {  	[tilespmem:$0x490] =	vst v1;
	v1 =	vshrl.u32 v5, $0x4;
	v5 =	vld [tilespmem:$0xC0]  }
0x36: {  	[tilespmem:$0x690] =	vst v1;
	v1 =	vshrl.u32 v6, $0x4;
	v6 =	vld [tilespmem:$0x2C0]  }
0x37: {  	[tilespmem:$0x4A0] =	vst v1;
	v1 =	vshrl.u32 v2, $0x4;
	v2 =	vld [tilespmem:$0xD0]  }
0x38: {  	[tilespmem:$0x6A0] =	vst v1;
	v1 =	vshrl.u32 v3, $0x4;
	v3 =	vld [tilespmem:$0x2D0]  }
0x39: {  	[tilespmem:$0x4B0] =	vst v1;
	v1 =	vshrl.u32 v4, $0x4;
	v4 =	vld [tilespmem:$0xE0]  }
0x3a: {  	[tilespmem:$0x6B0] =	vst v1;
	v1 =	vshrl.u32 v5, $0x4;
	v5 =	vld [tilespmem:$0x2E0]  }
0x3b: {  	[tilespmem:$0x4C0] =	vst v1;
	v1 =	vshrl.u32 v6, $0x4;
	v6 =	vld [tilespmem:$0xF0]  }
0x3c: {  	[tilespmem:$0x6C0] =	vst v1;
	v1 =	vshrl.u32 v2, $0x4;
	v2 =	vld [tilespmem:$0x2F0]  }
0x3d: {  	[tilespmem:$0x4D0] =	vst v1;
	v1 =	vshrl.u32 v3, $0x4;
	v3 =	vld [tilespmem:$0x100]  }
0x3e: {  	[tilespmem:$0x6D0] =	vst v1;
	v1 =	vshrl.u32 v4, $0x4;
	v4 =	vld [tilespmem:$0x300]  }
0x3f: {  	[tilespmem:$0x4E0] =	vst v1;
	v1 =	vshrl.u32 v5, $0x4;
	v5 =	vld [tilespmem:$0x110]  }
0x40: {  	[tilespmem:$0x6E0] =	vst v1;
	v1 =	vshrl.u32 v6, $0x4;
	v6 =	vld [tilespmem:$0x310]  }
0x41: {  	[tilespmem:$0x4F0] =	vst v1;
	v1 =	vshrl.u32 v2, $0x4;
	v2 =	vld [tilespmem:$0x120]  }
0x42: {  	[tilespmem:$0x6F0] =	vst v1;
	v1 =	vshrl.u32 v3, $0x4;
	v3 =	vld [tilespmem:$0x320]  }
0x43: {  	[tilespmem:$0x500] =	vst v1;
	v1 =	vshrl.u32 v4, $0x4;
	v4 =	vld [tilespmem:$0x130]  }
0x44: {  	[tilespmem:$0x700] =	vst v1;
	v1 =	vshrl.u32 v5, $0x4;
	v5 =	vld [tilespmem:$0x330]  }
0x45: {  	[tilespmem:$0x510] =	vst v1;
	v1 =	vshrl.u32 v6, $0x4;
	v6 =	vld [tilespmem:$0x140]  }
0x46: {  	[tilespmem:$0x710] =	vst v1;
	v1 =	vshrl.u32 v2, $0x4;
	v2 =	vld [tilespmem:$0x340]  }
0x47: {  	[tilespmem:$0x520] =	vst v1;
	v1 =	vshrl.u32 v3, $0x4;
	v3 =	vld [tilespmem:$0x150]  }
0x48: {  	[tilespmem:$0x720] =	vst v1;
	v1 =	vshrl.u32 v4, $0x4;
	v4 =	vld [tilespmem:$0x350]  }
0x49: {  	[tilespmem:$0x530] =	vst v1;
	v1 =	vshrl.u32 v5, $0x4;
	v5 =	vld [tilespmem:$0x160]  }
0x4a: {  	[tilespmem:$0x730] =	vst v1;
	v1 =	vshrl.u32 v6, $0x4;
	v6 =	vld [tilespmem:$0x360]  }
0x4b: {  	[tilespmem:$0x540] =	vst v1;
	v1 =	vshrl.u32 v2, $0x4;
	v2 =	vld [tilespmem:$0x170]  }
0x4c: {  	[tilespmem:$0x740] =	vst v1;
	v1 =	vshrl.u32 v3, $0x4;
	v3 =	vld [tilespmem:$0x370]  }
0x4d: {  	[tilespmem:$0x550] =	vst v1;
	v1 =	vshrl.u32 v4, $0x4;
	v4 =	vld [tilespmem:$0x180]  }
0x4e: {  	[tilespmem:$0x750] =	vst v1;
	v1 =	vshrl.u32 v5, $0x4;
	v5 =	vld [tilespmem:$0x380]  }
0x4f: {  	[tilespmem:$0x560] =	vst v1;
	v1 =	vshrl.u32 v6, $0x4;
	v6 =	vld [tilespmem:$0x190]  }
0x50: {  	[tilespmem:$0x760] =	vst v1;
	v1 =	vshrl.u32 v2, $0x4;
	v2 =	vld [tilespmem:$0x390]  }
0x51: {  	[tilespmem:$0x570] =	vst v1;
	v1 =	vshrl.u32 v3, $0x4;
	v3 =	vld [tilespmem:$0x1A0]  }
0x52: {  	[tilespmem:$0x770] =	vst v1;
	v1 =	vshrl.u32 v4, $0x4;
	v4 =	vld [tilespmem:$0x3A0]  }
0x53: {  	[tilespmem:$0x580] =	vst v1;
	v1 =	vshrl.u32 v5, $0x4;
	v5 =	vld [tilespmem:$0x1B0]  }
0x54: {  	[tilespmem:$0x780] =	vst v1;
	v1 =	vshrl.u32 v6, $0x4;
	v6 =	vld [tilespmem:$0x3B0]  }
0x55: {  	[tilespmem:$0x590] =	vst v1;
	v1 =	vshrl.u32 v2, $0x4;
	v2 =	vld [tilespmem:$0x1C0]  }
0x56: {  	[tilespmem:$0x790] =	vst v1;
	v1 =	vshrl.u32 v3, $0x4;
	v3 =	vld [tilespmem:$0x3C0]  }
0x57: {  	[tilespmem:$0x5A0] =	vst v1;
	v1 =	vshrl.u32 v4, $0x4;
	v4 =	vld [tilespmem:$0x1D0]  }
0x58: {  	[tilespmem:$0x7A0] =	vst v1;
	v1 =	vshrl.u32 v5, $0x4;
	v5 =	vld [tilespmem:$0x3D0]  }
0x59: {  	[tilespmem:$0x5B0] =	vst v1;
	v1 =	vshrl.u32 v6, $0x4;
	v6 =	vld [tilespmem:$0x1E0]  }
0x5a: {  	[tilespmem:$0x7B0] =	vst v1;
	v1 =	vshrl.u32 v2, $0x4;
	v2 =	vld [tilespmem:$0x3E0]  }
0x5b: {  	[tilespmem:$0x5C0] =	vst v1;
	v1 =	vshrl.u32 v3, $0x4;
	v3 =	vld [tilespmem:$0x1F0]  }
0x5c: {  	[tilespmem:$0x7C0] =	vst v1;
	v1 =	vshrl.u32 v4, $0x4;
	v4 =	vld [tilespmem:$0x3F0]  }
0x5d: {  	[tilespmem:$0x5D0] =	vst v1;
	v1 =	vshrl.u32 v5, $0x4  }
0x5e: {  	[tilespmem:$0x7D0] =	vst v1;
	v1 =	vshrl.u32 v6, $0x4  }
0x5f: {  	[tilespmem:$0x5E0] =	vst v1;
	v1 =	vshrl.u32 v2, $0x4  }
0x60: {  	[tilespmem:$0x7E0] =	vst v1;
	v1 =	vshrl.u32 v3, $0x4  }
0x61: {  	[tilespmem:$0x5F0] =	vst v1;
	v1 =	vshrl.u32 v4, $0x4  }
0x62: {  	[tilespmem:$0x7F0] =	vst v1  }
0x63: {  	[tilespmem:s15], [sflag:$0x1] =	stream.indirect.gather [hbm4b:s3+s14], $0x10, s2, s14, $0xb8;
	[tilespmem:$0x8A20] =	vst v63  }
0x64: {  	_ = 	snop  }
0x65: {  	[tilespmem:s16], [sflag:$0x1] =	stream.indirect.gather [hbm4b:s4+s14], $0x10, s1, s14, $0xb8;
	[tilespmem:$0x8A20] =	vst v63  }
0x66: {  	s12 =	simm.s32 $0x400  }
0x67: {  	[tilespmem:s18], [sflag:$0x1] =	stream.indirect.gather [hbm4b:s5+s14], $0x10, s12, s14, $0xb8;
	[tilespmem:$0x8A20] =	vst v63  }
0x68: {  	s19 =	simm.s32 $0x600  }
0x69: {  	[tilespmem:s20], [sflag:$0x1] =	stream.indirect.gather [hbm4b:s6+s14], $0x10, s19, s14, $0xb8;
	[tilespmem:$0x8A20] =	vst v63  }
0x6a: {  	s17 =	simm.s32 $0x1000  }
0x6b: {  	[tilespmem:s17], [sflag:$0x1] =	stream.indirect.gather [hbm4b:s3+s14], $0x10, s14, s14, $0xb8;
	[tilespmem:$0x8A20] =	vst v63  }
0x6c: {  	s19 =	simm.s32 $0x280;
	s17 =	simm.s32 $0x3000  }
0x6d: {  	[tilespmem:s17], [sflag:$0x1] =	stream.indirect.gather [hbm4b:s4+s14], $0x10, s19, s14, $0xb8;
	[tilespmem:$0x8A20] =	vst v63  }
0x6e: {  	s17 =	simm.s32 $0x480;
	s19 =	simm.s32 $0x5000  }
0x6f: {  	[tilespmem:s19], [sflag:$0x1] =	stream.indirect.gather [hbm4b:s5+s14], $0x10, s17, s14, $0xb8;
	[tilespmem:$0x8A20] =	vst v63  }
0x70: {  	s17 =	simm.s32 $0x680;
	s19 =	simm.s32 $0x7000  }
0x71: {  	[tilespmem:s19], [sflag:$0x1] =	stream.indirect.gather [hbm4b:s6+s14], $0x10, s17, s14, $0xb8;
	[tilespmem:$0x8A20] =	vst v63  }
0x72: {  	s17 =	simm.s32 $0x100;
	s19 =	simm.s32 $0x1800  }
0x73: {  	[tilespmem:s19], [sflag:$0x1] =	stream.indirect.gather [hbm4b:s3+s14], $0x10, s17, s14, $0xb8;
	[tilespmem:$0x8A20] =	vst v63  }
0x74: {  	s17 =	simm.s32 $0x300;
	s19 =	simm.s32 $0x3800  }
0x75: {  	[tilespmem:s19], [sflag:$0x1] =	stream.indirect.gather [hbm4b:s4+s14], $0x10, s17, s14, $0xb8;
	[tilespmem:$0x8A20] =	vst v63  }
0x76: {  	s17 =	simm.s32 $0x500;
	s19 =	simm.s32 $0x5800  }
0x77: {  	[tilespmem:s19], [sflag:$0x1] =	stream.indirect.gather [hbm4b:s5+s14], $0x10, s17, s14, $0xb8;
	[tilespmem:$0x8A20] =	vst v63  }
0x78: {  	s17 =	simm.s32 $0x700;
	s19 =	simm.s32 $0x7800  }
0x79: {  	[tilespmem:s19], [sflag:$0x1] =	stream.indirect.gather [hbm4b:s6+s14], $0x10, s17, s14, $0xb8;
	[tilespmem:$0x8A20] =	vst v63  }
0x7a: {  	_ = 	snop  }
0x7b: {  	[tilespmem:s22], [sflag:$0x1] =	stream.indirect.gather [hbm4b:s3+s14], $0x10, s21, s14, $0xb8;
	[tilespmem:$0x8A20] =	vst v63  }
0x7c: {  	_ = 	snop  }
0x7d: {  	[tilespmem:s24], [sflag:$0x1] =	stream.indirect.gather [hbm4b:s4+s14], $0x10, s23, s14, $0xb8;
	[tilespmem:$0x8A20] =	vst v63  }
0x7e: {  	_ = 	snop  }
0x7f: {  	[tilespmem:s26], [sflag:$0x1] =	stream.indirect.gather [hbm4b:s5+s14], $0x10, s25, s14, $0xb8;
	[tilespmem:$0x8A20] =	vst v63  }
0x80: {  	_ = 	snop  }
0x81: {  	[tilespmem:s29], [sflag:$0x1] =	stream.indirect.gather [hbm4b:s6+s14], $0x10, s28, s14, $0xb8;
	[tilespmem:$0x8A20] =	vst v63  }
0x82: {  	_ =	swait.ge [sflag:s30], $0x800  }
0x83: {  	[sflag:s30] =	ssyncset.done $0x0  }
0x84: {  	[sflag:s30] =	ssyncadd.s32 $0xFFFFF800  }
0x85: {  	_ =	swait.ge [sflag:s30], $0x800  }
0x86: {  	[sflag:s30] =	ssyncset.done $0x0  }
0x87: {  	[sflag:s30] =	ssyncadd.s32 $0xFFFFF800  }
0x88: {  	_ =	swait.ge [sflag:s30], $0x800  }
0x89: {  	[sflag:s30] =	ssyncset.done $0x0  }
0x8a: {  	[sflag:s30] =	ssyncadd.s32 $0xFFFFF800  }
0x8b: {  	_ =	swait.ge [sflag:s30], $0x800  }
0x8c: {  	[sflag:s30] =	ssyncset.done $0x0  }
0x8d: {  	[sflag:s30] =	ssyncadd.s32 $0xFFFFF800  }
0x8e: {  	_ =	swait.ge [sflag:s30], $0x800  }
0x8f: {  	[sflag:s30] =	ssyncset.done $0x0  }
0x90: {  	[sflag:s30] =	ssyncadd.s32 $0xFFFFF800  }
0x91: {  	_ =	swait.ge [sflag:s30], $0x800  }
0x92: {  	[sflag:s30] =	ssyncset.done $0x0  }
0x93: {  	[sflag:s30] =	ssyncadd.s32 $0xFFFFF800  }
0x94: {  	_ =	swait.ge [sflag:s30], $0x800  }
0x95: {  	[sflag:s30] =	ssyncset.done $0x0  }
0x96: {  	[sflag:s30] =	ssyncadd.s32 $0xFFFFF800  }
0x97: {  	_ =	swait.ge [sflag:s30], $0x800  }
0x98: {  	[sflag:s30] =	ssyncset.done $0x0  }
0x99: {  	[sflag:s30] =	ssyncadd.s32 $0xFFFFF800  }
0x9a: {  	_ =	swait.ge [sflag:s30], $0x800  }
0x9b: {  	[sflag:s30] =	ssyncset.done $0x0  }
0x9c: {  	[sflag:s30] =	ssyncadd.s32 $0xFFFFF800  }
0x9d: {  	_ =	swait.ge [sflag:s30], $0x800  }
0x9e: {  	[sflag:s30] =	ssyncset.done $0x0  }
0x9f: {  	[sflag:s30] =	ssyncadd.s32 $0xFFFFF800  }
0xa0: {  	_ =	swait.ge [sflag:s30], $0x800  }
0xa1: {  	[sflag:s30] =	ssyncset.done $0x0  }
0xa2: {  	[sflag:s30] =	ssyncadd.s32 $0xFFFFF800  }
0xa3: {  	_ =	swait.ge [sflag:s30], $0x800  }
0xa4: {  	[sflag:s30] =	ssyncset.done $0x0  }
0xa5: {  	[sflag:s30] =	ssyncadd.s32 $0xFFFFF800  }
0xa6: {  	_ =	swait.ge [sflag:s30], $0x800  }
0xa7: {  	[sflag:s30] =	ssyncset.done $0x0  }
0xa8: {  	[sflag:s30] =	ssyncadd.s32 $0xFFFFF800  }
0xa9: {  	_ =	swait.ge [sflag:s30], $0x800  }
0xaa: {  	[sflag:s30] =	ssyncset.done $0x0  }
0xab: {  	[sflag:s30] =	ssyncadd.s32 $0xFFFFF800  }
0xac: {  	_ =	swait.ge [sflag:s30], $0x800  }
0xad: {  	[sflag:s30] =	ssyncset.done $0x0  }
0xae: {  	[sflag:s30] =	ssyncadd.s32 $0xFFFFF800  }
0xaf: {  	_ =	swait.ge [sflag:s30], $0x800  }
0xb0: {  	v1 =	vmov s2;
	[sflag:s30] =	ssyncset.done $0x0  }
0xb1: {  	v1 =	vshll.u32 v1, $0x4;
	[sflag:s30] =	ssyncadd.s32 $0xFFFFF800  }
0xb2: {  	v13 =	vor.u32 v0, v1;
	v2 =	vld [tilespmem:s2+$0x0]  }
0xb3: {  	v4 =	vor.u32 $0x1, v13  }
0xb4: {  	v3 =	vld [tilespmem:s1+$0x0];
	_ =	sdelay $0x2  }
0xb5: {  	v17 =	vld [tilespmem:$0x8800];
	v1 =	vand.u32 $0xF, v2  }
0xb6: {  	v5 =	vld.idx.msk [tilespmem:v4+s15+$0x0], $0xffff;
	v2 =	vor.u32 v13, v1  }
0xb7: {  	v7 =	vor.u32 $0x2, v13;
	v6 =	vld.idx.msk [tilespmem:v13+s15+$0x0], $0xffff;
	v3 =	vand.u32 $0xF, v3  }
0xb8: {  	v8 =	vld.idx.msk [tilespmem:v13+s16+$0x0], $0xffff;
	v3 =	vor.u32 v13, v3  }
0xb9: {  	v10 =	vld.idx.msk [tilespmem:v4+s16+$0x0], $0xffff  }
0xba: {  	v9 =	vor.u32 $0x3, v13;
	v1 =	vld [tilespmem:$0x8810]  }
0xbb: {  	v2 =	vld.idx.msk [tilespmem:v2+s18+$0x0], $0xffff  }
0xbc: {  	v11 =	vor.u32 $0x4, v13;
	v12 =	vld.idx.msk [tilespmem:v7+s15+$0x0], $0xffff  }
0xbd: {  	v3 =	vld.idx.msk [tilespmem:v3+s20+$0x0], $0xffff  }
0xbe: {  	v14 =	vor.u32 $0x5, v13;
	v7 =	vld.idx.msk [tilespmem:v7+s16+$0x0], $0xffff  }
0xbf: {  	v15 =	vld.idx.msk [tilespmem:v9+s15+$0x0], $0xffff;
	v4 =	vbroadcast v17, $0x0  }
0xc0: {  	v6 =	vmul.f32 v8, v6;
	v8 =	vld.idx.msk [tilespmem:v9+s16+$0x0], $0xffff;
	v9 =	vor.u32 $0x6, v13;
	v16 =	vadd.f32 v2, v1  }
0xc1: {  	v18 =	vld.idx.msk [tilespmem:v11+s15+$0x0], $0xffff;
	v5 =	vmul.f32 v10, v5;
	v10 =	vor.u32 $0x7, v13  }
0xc2: {  	v11 =	vld.idx.msk [tilespmem:v11+s16+$0x0], $0xffff;
	v6 =	vmul.f32 v6, v4;
	v2 =	vbroadcast v17, $0x1;
	v16 =	vadd.f32 v3, v16  }
0xc3: {  	v19 =	vld.idx.msk [tilespmem:v14+s15+$0x0], $0xffff;
	v7 =	vmul.f32 v7, v12;
	v12 =	vor.u32 $0x8, v13  }
0xc4: {  	v14 =	vld.idx.msk [tilespmem:v14+s16+$0x0], $0xffff;
	v3 =	vbroadcast v17, $0x2;
	v6 =	vadd.f32 v6, v16;
	v16 =	vmul.f32 v5, v2  }
0xc5: {  	v20 =	vld.idx.msk [tilespmem:v9+s15+$0x0], $0xffff;
	v8 =	vmul.f32 v8, v15;
	v15 =	vor.u32 $0x9, v13  }
0xc6: {  	v9 =	vld.idx.msk [tilespmem:v9+s16+$0x0], $0xffff;
	v5 =	vbroadcast v17, $0x3;
	v7 =	vmul.f32 v7, v3;
	v16 =	vadd.f32 v16, v6  }
0xc7: {  	v11 =	vmul.f32 v11, v18;
	v18 =	vor.u32 $0xA, v13;
	v21 =	vld.idx.msk [tilespmem:v10+s15+$0x0], $0xffff  }
0xc8: {  	v10 =	vld.idx.msk [tilespmem:v10+s16+$0x0], $0xffff;
	v6 =	vbroadcast v17, $0x4;
	v8 =	vmul.f32 v8, v5;
	v16 =	vadd.f32 v7, v16  }
0xc9: {  	v14 =	vmul.f32 v14, v19;
	v19 =	vor.u32 $0xB, v13;
	v22 =	vld.idx.msk [tilespmem:v12+s15+$0x0], $0xffff  }
0xca: {  	v12 =	vld.idx.msk [tilespmem:v12+s16+$0x0], $0xffff;
	v7 =	vbroadcast v17, $0x5;
	v11 =	vmul.f32 v11, v6;
	v16 =	vadd.f32 v8, v16  }
0xcb: {  	v23 =	vld.idx.msk [tilespmem:v15+s15+$0x0], $0xffff;
	v8 =	vbroadcast v17, $0x6  }
0xcc: {  	v15 =	vld.idx.msk [tilespmem:v15+s16+$0x0], $0xffff;
	v14 =	vmul.f32 v14, v7;
	v11 =	vadd.f32 v11, v16;
	v16 =	vmul.f32 v9, v20  }
0xcd: {  	v24 =	vld.idx.msk [tilespmem:v18+s15+$0x0], $0xffff;
	v9 =	vbroadcast v17, $0x7;
	v20 =	vor.u32 $0xC, v13  }
0xce: {  	v18 =	vld.idx.msk [tilespmem:v18+s16+$0x0], $0xffff;
	v11 =	vadd.f32 v14, v11;
	v14 =	vmul.f32 v16, v8;
	v16 =	vmul.f32 v10, v21  }
0xcf: {  	v59 =	vor.u32 $0xD, v13;
	v25 =	vld.idx.msk [tilespmem:v19+s15+$0x0], $0xffff;
	v12 =	vmul.f32 v12, v22  }
0xd0: {  	v19 =	vld.idx.msk [tilespmem:v19+s16+$0x0], $0xffff;
	v10 =	vbroadcast v17, $0x8;
	v14 =	vadd.f32 v14, v11;
	v16 =	vmul.f32 v16, v9  }
0xd1: {  	v60 =	vor.u32 $0xE, v13;
	v15 =	vmul.f32 v15, v23  }
0xd2: {  	v11 =	vbroadcast v17, $0x9;
	v26 =	vld.idx.msk [tilespmem:v20+s15+$0x0], $0xffff;
	v14 =	vadd.f32 v16, v14;
	v16 =	vmul.f32 v12, v10  }
0xd3: {  	v61 =	vor.u32 $0xF, v13;
	v20 =	vld.idx.msk [tilespmem:v20+s16+$0x0], $0xffff;
	v12 =	vbroadcast v17, $0xA  }
0xd4: {  	v27 =	vld.idx.msk [tilespmem:v59+s15+$0x0], $0xffff;
	v15 =	vmul.f32 v15, v11;
	v14 =	vadd.f32 v16, v14;
	v16 =	vmul.f32 v18, v24  }
0xd5: {  	v19 =	vmul.f32 v19, v25;
	v13 =	vbroadcast v17, $0xB;
	v18 =	vld.idx.msk [tilespmem:v59+s16+$0x0], $0xffff  }
0xd6: {  	v62 =	vld.idx.msk [tilespmem:v60+s15+$0x0], $0xffff;
	v15 =	vadd.f32 v15, v14;
	v16 =	vmul.f32 v16, v12  }
0xd7: {  	v22 =	vld.idx.msk [tilespmem:v60+s16+$0x0], $0xffff;
	v19 =	vmul.f32 v19, v13  }
0xd8: {  	v63 =	vld.idx.msk [tilespmem:v61+s15+$0x0], $0xffff;
	v14 =	vbroadcast v17, $0xC;
	v20 =	vmul.f32 v20, v26;
	v16 =	vadd.f32 v16, v15  }
0xd9: {  	v23 =	vld.idx.msk [tilespmem:v61+s16+$0x0], $0xffff;
	v15 =	vbroadcast v17, $0xD  }
0xda: {  	v20 =	vmul.f32 v20, v14;
	v18 =	vmul.f32 v18, v27;
	v19 =	vadd.f32 v19, v16  }
0xdb: {  	v16 =	vbroadcast v17, $0xE  }
0xdc: {  	v18 =	vmul.f32 v18, v15;
	v19 =	vadd.f32 v20, v19;
	v20 =	vmul.f32 v22, v62  }
0xdd: {  	v17 =	vbroadcast v17, $0xF  }
0xde: {  	v18 =	vadd.f32 v18, v19;
	v19 =	vmul.f32 v20, v16;
	v20 =	vmul.f32 v23, v63;
	_ =	sdelay $0x1  }
0xdf: {  	v18 =	vadd.f32 v19, v18;
	v19 =	vmul.f32 v20, v17;
	_ =	sdelay $0x1  }
0xe0: {  	v18 =	vadd.f32 v19, v18;
	_ =	sdelay $0x1  }
0xe1: {  	v18 =	vsub.f32 $0.0e+00, v18;
	_ =	sdelay $0x1  }
0xe2: {  	v18 =	vmul.f32 $1.442695020e+00, v18;
	_ =	sdelay $0x1  }
0xe3: {  	(erf) = vpow2.f32 v18;
	_ =	sdelay $0x8  }
0xe4: {  	v18 =	vpop (erf)  }
0xe5: {  	v18 =	vadd.f32 $1.000000000e+00, v18;
	_ =	sdelay $0x1  }
0xe6: {  	(erf) = vrcp.f32 v18;
	_ =	sdelay $0x8  }
0xe7: {  	v18 =	vpop (erf)  }
0xe8: {  	s17 =	simm.s32 $0x10;
	[tilespmem:s31+$0x0] =	vst v18  }
0xe9: {  	s12 =	simm.s32 $0x8820;
	s19 =	simm.s32 $0x20;
	v19 =	vmov s17;
	v18 =	vld [tilespmem:s17+$0x0]  }
.LBB2_2:
0xea: {  	p0 =	sne.s32 s19, $0x1F0;
	v19 =	vshll.u32 v19, $0x4;
	s1 =	sadd.s32 $0x10, s1  }
0xeb: {  	v19 =	vor.u32 v0, v19;
	v20 =	vld [tilespmem:s1+$0x0]  }
0xec: {  	v21 =	vor.u32 $0x1, v19;
	_ =	sdelay $0x1  }
0xed: {  	v18 =	vand.u32 $0xF, v18  }
0xee: {  	v18 =	vor.u32 v19, v18  }
0xef: {  	v20 =	vand.u32 $0xF, v20  }
0xf0: {  	v20 =	vor.u32 v19, v20;
	v22 =	vld.idx.msk [tilespmem:v21+s15+$0x0], $0xffff  }
0xf1: {  	v24 =	vor.u32 $0x2, v19;
	v23 =	vld.idx.msk [tilespmem:v19+s15+$0x0], $0xffff  }
0xf2: {  	v25 =	vld.idx.msk [tilespmem:v19+s16+$0x0], $0xffff  }
0xf3: {  	v26 =	vor.u32 $0x3, v19;
	v18 =	vld.idx.msk [tilespmem:v18+s18+$0x0], $0xffff  }
0xf4: {  	v21 =	vld.idx.msk [tilespmem:v21+s16+$0x0], $0xffff  }
0xf5: {  	v27 =	vor.u32 $0x4, v19;
	v20 =	vld.idx.msk [tilespmem:v20+s20+$0x0], $0xffff  }
0xf6: {  	v28 =	vld.idx.msk [tilespmem:v24+s15+$0x0], $0xffff  }
0xf7: {  	v29 =	vor.u32 $0x5, v19;
	v24 =	vld.idx.msk [tilespmem:v24+s16+$0x0], $0xffff  }
0xf8: {  	v30 =	vld.idx.msk [tilespmem:v26+s15+$0x0], $0xffff  }
0xf9: {  	v23 =	vmul.f32 v25, v23;
	v18 =	vadd.f32 v18, v1;
	v25 =	vld.idx.msk [tilespmem:v26+s16+$0x0], $0xffff;
	v26 =	vor.u32 $0x6, v19  }
0xfa: {  	v32 =	vor.u32 $0x7, v19;
	v31 =	vld.idx.msk [tilespmem:v27+s15+$0x0], $0xffff  }
0xfb: {  	v21 =	vmul.f32 v21, v22;
	v18 =	vadd.f32 v20, v18;
	v20 =	vmul.f32 v23, v4;
	v22 =	vld.idx.msk [tilespmem:v27+s16+$0x0], $0xffff  }
0xfc: {  	v27 =	vor.u32 $0x8, v19;
	v23 =	vld.idx.msk [tilespmem:v29+s15+$0x0], $0xffff  }
0xfd: {  	v18 =	vadd.f32 v20, v18;
	v20 =	vmul.f32 v21, v2;
	v21 =	vmul.f32 v24, v28;
	v24 =	vld.idx.msk [tilespmem:v29+s16+$0x0], $0xffff  }
0xfe: {  	v29 =	vor.u32 $0x9, v19;
	v28 =	vld.idx.msk [tilespmem:v26+s15+$0x0], $0xffff  }
0xff: {  	v18 =	vadd.f32 v20, v18;
	v20 =	vmul.f32 v21, v3;
	v21 =	vmul.f32 v25, v30;
	v25 =	vld.idx.msk [tilespmem:v26+s16+$0x0], $0xffff  }
0x100: {  	v30 =	vor.u32 $0xA, v19;
	v26 =	vld.idx.msk [tilespmem:v32+s15+$0x0], $0xffff  }
0x101: {  	v18 =	vadd.f32 v20, v18;
	v20 =	vmul.f32 v21, v5;
	v21 =	vmul.f32 v22, v31;
	v22 =	vld.idx.msk [tilespmem:v32+s16+$0x0], $0xffff  }
0x102: {  	v32 =	vor.u32 $0xB, v19;
	v31 =	vld.idx.msk [tilespmem:v27+s15+$0x0], $0xffff  }
0x103: {  	v18 =	vadd.f32 v20, v18;
	v20 =	vmul.f32 v21, v6;
	v21 =	vmul.f32 v24, v23;
	v23 =	vld.idx.msk [tilespmem:v27+s16+$0x0], $0xffff  }
0x104: {  	v27 =	vor.u32 $0xC, v19;
	v24 =	vld.idx.msk [tilespmem:v29+s15+$0x0], $0xffff  }
0x105: {  	v18 =	vadd.f32 v20, v18;
	v20 =	vmul.f32 v21, v7;
	v21 =	vmul.f32 v25, v28;
	v25 =	vld.idx.msk [tilespmem:v29+s16+$0x0], $0xffff  }
0x106: {  	v29 =	vor.u32 $0xD, v19;
	v28 =	vld.idx.msk [tilespmem:v30+s15+$0x0], $0xffff  }
0x107: {  	v18 =	vadd.f32 v20, v18;
	v20 =	vmul.f32 v21, v8;
	v21 =	vmul.f32 v22, v26;
	v22 =	vld.idx.msk [tilespmem:v30+s16+$0x0], $0xffff  }
0x108: {  	v30 =	vor.u32 $0xE, v19;
	v26 =	vld.idx.msk [tilespmem:v32+s15+$0x0], $0xffff  }
0x109: {  	v18 =	vadd.f32 v20, v18;
	v20 =	vmul.f32 v21, v9;
	v21 =	vmul.f32 v23, v31;
	v23 =	vld.idx.msk [tilespmem:v32+s16+$0x0], $0xffff  }
0x10a: {  	v19 =	vor.u32 $0xF, v19;
	v31 =	vld.idx.msk [tilespmem:v27+s15+$0x0], $0xffff  }
0x10b: {  	v18 =	vadd.f32 v20, v18;
	v20 =	vmul.f32 v21, v10;
	v21 =	vmul.f32 v25, v24;
	v24 =	vld.idx.msk [tilespmem:v27+s16+$0x0], $0xffff  }
0x10c: {  	v25 =	vld.idx.msk [tilespmem:v29+s15+$0x0], $0xffff  }
0x10d: {  	v18 =	vadd.f32 v20, v18;
	v20 =	vmul.f32 v21, v11;
	v21 =	vmul.f32 v22, v28;
	v22 =	vld.idx.msk [tilespmem:v29+s16+$0x0], $0xffff  }
0x10e: {  	v27 =	vld.idx.msk [tilespmem:v30+s15+$0x0], $0xffff  }
0x10f: {  	v18 =	vadd.f32 v20, v18;
	v20 =	vmul.f32 v21, v12;
	v21 =	vmul.f32 v23, v26;
	v23 =	vld.idx.msk [tilespmem:v30+s16+$0x0], $0xffff  }
0x110: {  	v26 =	vld.idx.msk [tilespmem:v19+s15+$0x0], $0xffff  }
0x111: {  	v18 =	vadd.f32 v20, v18;
	v20 =	vmul.f32 v21, v13;
	v21 =	vmul.f32 v24, v31;
	v19 =	vld.idx.msk [tilespmem:v19+s16+$0x0], $0xffff;
	_ =	sdelay $0x1  }
0x112: {  	v18 =	vadd.f32 v20, v18;
	v20 =	vmul.f32 v21, v14;
	v21 =	vmul.f32 v22, v25;
	_ =	sdelay $0x1  }
0x113: {  	v18 =	vadd.f32 v20, v18;
	v20 =	vmul.f32 v21, v15;
	v21 =	vmul.f32 v23, v27;
	_ =	sdelay $0x1  }
0x114: {  	v18 =	vadd.f32 v20, v18;
	v20 =	vmul.f32 v21, v16;
	v19 =	vmul.f32 v19, v26;
	_ =	sdelay $0x1  }
0x115: {  	v18 =	vadd.f32 v20, v18;
	v19 =	vmul.f32 v19, v17;
	_ =	sdelay $0x1  }
0x116: {  	v18 =	vadd.f32 v19, v18;
	_ =	sdelay $0x1  }
0x117: {  	v18 =	vsub.f32 $0.0e+00, v18;
	_ =	sdelay $0x1  }
0x118: {  	v18 =	vmul.f32 $1.442695020e+00, v18;
	_ =	sdelay $0x1  }
0x119: {  	(erf) = vpow2.f32 v18;
	_ =	sdelay $0x8  }
0x11a: {  	v18 =	vpop (erf)  }
0x11b: {  	v18 =	vadd.f32 $1.000000000e+00, v18;
	_ =	sdelay $0x1  }
0x11c: {  	(erf) = vrcp.f32 v18;
	_ =	sdelay $0x6  }
.Ltmp0:
0x11d: {  	(pc) =	sbr.rel @p0 .LBB2_2-.Ltmp0, $4  }
0x11e: {  	_ = 	snop  }
0x11f: {  	s12 =	sadd.s32 $0x10, s12;
	v18 =	vpop (erf)  }
0x120: {  	s17 =	sadd.s32 $0x10, s17;
	[tilespmem:s12+$0x0] =	vst v18  }
0x121: {  	v19 =	vmov s19;
	s19 =	sadd.s32 $0x10, s19;
	v18 =	vld [tilespmem:s17+$0x0]  }
0x122: {  	s1 =	sadd.s32 $0x10, s1  }
0x123: {  	v19 =	vshll.u32 v19, $0x4;
	v20 =	vld [tilespmem:s1+$0x0]  }
0x124: {  	v19 =	vor.u32 v0, v19;
	_ =	sdelay $0x1  }
0x125: {  	v21 =	vor.u32 $0x1, v19;
	v18 =	vand.u32 $0xF, v18  }
0x126: {  	v18 =	vor.u32 v19, v18  }
0x127: {  	v20 =	vand.u32 $0xF, v20  }
0x128: {  	v23 =	vld.idx.msk [tilespmem:v19+s15+$0x0], $0xffff;
	v20 =	vor.u32 v19, v20  }
0x129: {  	v24 =	vor.u32 $0x2, v19;
	v25 =	vld.idx.msk [tilespmem:v19+s16+$0x0], $0xffff  }
0x12a: {  	v22 =	vld.idx.msk [tilespmem:v21+s15+$0x0], $0xffff  }
0x12b: {  	v26 =	vor.u32 $0x3, v19;
	v18 =	vld.idx.msk [tilespmem:v18+s18+$0x0], $0xffff  }
0x12c: {  	v21 =	vld.idx.msk [tilespmem:v21+s16+$0x0], $0xffff  }
0x12d: {  	v27 =	vor.u32 $0x4, v19;
	v20 =	vld.idx.msk [tilespmem:v20+s20+$0x0], $0xffff  }
0x12e: {  	v28 =	vld.idx.msk [tilespmem:v24+s15+$0x0], $0xffff  }
0x12f: {  	v29 =	vor.u32 $0x5, v19;
	v24 =	vld.idx.msk [tilespmem:v24+s16+$0x0], $0xffff  }
0x130: {  	v30 =	vld.idx.msk [tilespmem:v26+s15+$0x0], $0xffff;
	v33 =	vmul.f32 v25, v23;
	v1 =	vadd.f32 v18, v1  }
0x131: {  	v35 =	vor.u32 $0x6, v19;
	v34 =	vld.idx.msk [tilespmem:v26+s16+$0x0], $0xffff  }
0x132: {  	v36 =	vld.idx.msk [tilespmem:v27+s15+$0x0], $0xffff;
	v37 =	vmul.f32 v21, v22;
	v4 =	vmul.f32 v33, v4;
	v1 =	vadd.f32 v20, v1  }
0x133: {  	v38 =	vor.u32 $0x7, v19;
	v39 =	vld.idx.msk [tilespmem:v27+s16+$0x0], $0xffff  }
0x134: {  	v40 =	vld.idx.msk [tilespmem:v29+s15+$0x0], $0xffff;
	v41 =	vmul.f32 v24, v28;
	v2 =	vmul.f32 v37, v2;
	v1 =	vadd.f32 v4, v1  }
0x135: {  	v42 =	vor.u32 $0x8, v19;
	v43 =	vld.idx.msk [tilespmem:v29+s16+$0x0], $0xffff  }
0x136: {  	v44 =	vld.idx.msk [tilespmem:v35+s15+$0x0], $0xffff;
	v1 =	vadd.f32 v2, v1;
	v2 =	vmul.f32 v41, v3;
	v3 =	vmul.f32 v34, v30  }
0x137: {  	v45 =	vor.u32 $0x9, v19;
	v46 =	vld.idx.msk [tilespmem:v35+s16+$0x0], $0xffff  }
0x138: {  	v47 =	vld.idx.msk [tilespmem:v38+s15+$0x0], $0xffff;
	v1 =	vadd.f32 v2, v1;
	v2 =	vmul.f32 v3, v5;
	v3 =	vmul.f32 v39, v36  }
0x139: {  	v48 =	vor.u32 $0xA, v19;
	v20 =	vld.idx.msk [tilespmem:v38+s16+$0x0], $0xffff  }
0x13a: {  	v49 =	vld.idx.msk [tilespmem:v42+s15+$0x0], $0xffff;
	v1 =	vadd.f32 v2, v1;
	v2 =	vmul.f32 v3, v6;
	v3 =	vmul.f32 v43, v40  }
0x13b: {  	v50 =	vor.u32 $0xB, v19;
	v18 =	vld.idx.msk [tilespmem:v42+s16+$0x0], $0xffff  }
0x13c: {  	v51 =	vld.idx.msk [tilespmem:v45+s15+$0x0], $0xffff;
	v1 =	vadd.f32 v2, v1;
	v2 =	vmul.f32 v3, v7;
	v3 =	vmul.f32 v46, v44  }
0x13d: {  	v52 =	vor.u32 $0xC, v19;
	v4 =	vld.idx.msk [tilespmem:v45+s16+$0x0], $0xffff  }
0x13e: {  	v53 =	vld.idx.msk [tilespmem:v48+s15+$0x0], $0xffff;
	v1 =	vadd.f32 v2, v1;
	v2 =	vmul.f32 v3, v8;
	v3 =	vmul.f32 v20, v47  }
0x13f: {  	v54 =	vor.u32 $0xD, v19;
	v5 =	vld.idx.msk [tilespmem:v48+s16+$0x0], $0xffff  }
0x140: {  	v55 =	vld.idx.msk [tilespmem:v50+s15+$0x0], $0xffff;
	v1 =	vadd.f32 v2, v1;
	v2 =	vmul.f32 v3, v9;
	v3 =	vmul.f32 v18, v49  }
0x141: {  	v56 =	vor.u32 $0xE, v19;
	v6 =	vld.idx.msk [tilespmem:v50+s16+$0x0], $0xffff  }
0x142: {  	v57 =	vld.idx.msk [tilespmem:v52+s15+$0x0], $0xffff;
	v1 =	vadd.f32 v2, v1;
	v2 =	vmul.f32 v3, v10;
	v3 =	vmul.f32 v4, v51  }
0x143: {  	v58 =	vor.u32 $0xF, v19;
	v7 =	vld.idx.msk [tilespmem:v52+s16+$0x0], $0xffff  }
0x144: {  	v59 =	vld.idx.msk [tilespmem:v54+s15+$0x0], $0xffff;
	v1 =	vadd.f32 v2, v1;
	v2 =	vmul.f32 v3, v11;
	v3 =	vmul.f32 v5, v53  }
0x145: {  	v60 =	vld.idx.msk [tilespmem:v54+s16+$0x0], $0xffff  }
0x146: {  	v61 =	vld.idx.msk [tilespmem:v56+s15+$0x0], $0xffff;
	v1 =	vadd.f32 v2, v1;
	v2 =	vmul.f32 v3, v12;
	v3 =	vmul.f32 v6, v55  }
0x147: {  	v62 =	vld.idx.msk [tilespmem:v56+s16+$0x0], $0xffff  }
0x148: {  	v63 =	vld.idx.msk [tilespmem:v58+s15+$0x0], $0xffff;
	v1 =	vadd.f32 v2, v1;
	v2 =	vmul.f32 v3, v13;
	v3 =	vmul.f32 v7, v57  }
0x149: {  	v4 =	vld.idx.msk [tilespmem:v58+s16+$0x0], $0xffff  }
0x14a: {  	v1 =	vadd.f32 v2, v1;
	v2 =	vmul.f32 v3, v14;
	v3 =	vmul.f32 v60, v59;
	_ =	sdelay $0x1  }
0x14b: {  	v1 =	vadd.f32 v2, v1;
	v2 =	vmul.f32 v3, v15;
	v3 =	vmul.f32 v62, v61;
	_ =	sdelay $0x1  }
0x14c: {  	v1 =	vadd.f32 v2, v1;
	v2 =	vmul.f32 v3, v16;
	v3 =	vmul.f32 v4, v63;
	_ =	sdelay $0x1  }
0x14d: {  	v1 =	vadd.f32 v2, v1;
	v2 =	vmul.f32 v3, v17;
	_ =	sdelay $0x1  }
0x14e: {  	v1 =	vadd.f32 v2, v1;
	_ =	sdelay $0x1  }
0x14f: {  	v1 =	vsub.f32 $0.0e+00, v1;
	_ =	sdelay $0x1  }
0x150: {  	v1 =	vmul.f32 $1.442695020e+00, v1;
	_ =	sdelay $0x1  }
0x151: {  	(erf) = vpow2.f32 v1;
	_ =	sdelay $0x8  }
0x152: {  	v1 =	vpop (erf)  }
0x153: {  	v1 =	vadd.f32 $1.000000000e+00, v1;
	_ =	sdelay $0x1  }
0x154: {  	(erf) = vrcp.f32 v1;
	_ =	sdelay $0x7  }
0x155: {  	s0 =	sadd.s32 $0x1, s0  }
0x156: {  	s19 =	sadd.s32 $0x10, s12;
	p0 =	sne.s32 s0, s11;
	v1 =	vpop (erf)  }
.Ltmp1:
0x157: {  	[tilespmem:s19+$0x0] =	vst v1;
	(pc) =	sbr.rel @p0 .LBB2_1-.Ltmp1, $4  }
0x158: {  	[hbm4b:s10+s2] =	stream.linear.scatter [tilespmem:s31], [sflag:$0x2], $0x200, $0x38;
	[tilespmem:$0x8A20] =	vst v63  }
0x159: {  	_ =	swait.ge [sflag:s13], $0x200  }
0x15a: {  	[sflag:s13] =	ssyncset.done $0x0  }
0x15b: {  	[sflag:s13] =	ssyncadd.s32 $0xFFFFFE00  }
0x15c: {  	_ =	sfence.sel $0x180000  }
0x15d: {  	[bflag:$0x0] =	sbarrier.arrive $0xFFFF  }
0x15e: {  	_ =	strace $0x90000047  }
0x15f: {  	s0 =	stileid.u32;
	[bflag:$0x2] =	sbarrier.arrive $0xFFFF  }
0x160: {  	p0 =	sne.s32 s0, $0x0;
	s0 =	rddreg [dreg:$0x2]  }
0x161: {  	s0 =	sadd.s32 @!p0 $0x100000, s0  }
0x162: {  	[sflag:s0] =	ssyncadd.tile.s32 @!p0 $0x1;
	_ =	shalt  }
.Lfunc_end2:
_tile_overlayer_lowered:
.L_overlay_start_2:
0x163: {  	(tag) =	ssettag $0x2  }
0x164: {  	s0 =	rddreg [dreg:$0x0];
	s2 =	stileid.u32  }
0x165: {  	s1 =	rddreg [dreg:$0x1];
	p0 =	sne.s32 s2, $0x0  }
0x166: {  	s3 =	rddreg [dreg:$0x2];
	[bflag:$0x3] =	sbarrier.arrive $0xFFFF;
	s2 =	simm.s32 @!p0 $0x1C02  }
0x167: {  	[timem:s3], [sflag:s2] =	dma.local @!p0 [hbm:s0], s1  }
0x168: {  	s0 =	simm.s32 @!p0 $0x2  }
0x169: {  	_ =	swait.ge @!p0 [sflag:s0], s1  }
0x16a: {  	s1 =	ssub.s32 @!p0 $0x0, s1;
	[sflag:s0] =	ssyncset.done @!p0 $0x0  }
0x16b: {  	[sflag:s0] =	ssyncadd.s32 @!p0 s1  }
0x16c: {  	[bflag:$0x3] =	sbarrier.arrive $0xFFFF  }
0x16d: {  	_ =	shalt  }

</sc_bundles>
